<compile_context>
chip_gen: v7x
topology: tpu7x:2x2x1
jax: 0.10.2.dev20260603
libtpu: 0.0.44.dev20260713+nightly
codegen_flags: <defaults>
</compile_context>

<pallas_src>
import functools

import jax
import jax.numpy as jnp
from jax import lax
from jax.experimental import pallas as pl
from jax.experimental.pallas import tpu as pltpu
from jax.experimental.pallas import tpu_sc as plsc

NC = 2
NS = 16
NW = NC * NS
K = 128


def _sc_aggregate(x2d, srcp, dstp, ec128, zx, n_pad, e_pad):
    din = x2d.shape[1]
    zr = n_pad // NS
    b_w = e_pad // NW
    n_iter = b_w // K
    nzc = zr // K

    mesh = plsc.VectorSubcoreMesh(core_axis_name="c", subcore_axis_name="s")

    @functools.partial(
        pl.kernel,
        out_type=(
            jax.ShapeDtypeStruct((NC * n_pad, din), jnp.float32),
            jax.ShapeDtypeStruct((NC * n_pad, din), jnp.float32),
        ),
        mesh=mesh,
        scratch_types=[
            pltpu.VMEM((K,), jnp.int32),
            pltpu.VMEM((K,), jnp.int32),
            pltpu.VMEM((K, din), jnp.float32),
            pltpu.VMEM_SHARED((n_pad, din), jnp.float32),
            pltpu.SemaphoreType.DMA,
        ],
    )
    def sc_agg(x_hbm, src_hbm, dst_hbm, ec_hbm, zx_hbm,
               outx_hbm, outec_hbm,
               srcv, dstv, rowsv, agg_sh, sem):
        cid = lax.axis_index("c")
        sid = lax.axis_index("s")
        wid = cid * NS + sid
        r0 = sid * zr
        o0 = cid * n_pad + r0
        base0 = wid * b_w

        pltpu.sync_copy(zx_hbm, rowsv)

        @pl.loop(0, nzc)
        def _(j):
            pltpu.sync_copy(rowsv, agg_sh.at[pl.ds(r0 + j * K, K)])

        plsc.subcore_barrier()

        @pl.loop(0, n_iter)
        def _(i):
            base = base0 + i * K
            pltpu.sync_copy(src_hbm.at[pl.ds(base, K)], srcv)
            pltpu.sync_copy(dst_hbm.at[pl.ds(base, K)], dstv)
            pltpu.async_copy(x_hbm.at[srcv], rowsv, sem).wait()
            pltpu.sync_copy(rowsv, agg_sh.at[dstv], add=True)

        plsc.subcore_barrier()

        @pl.loop(0, nzc)
        def _(j):
            pltpu.sync_copy(agg_sh.at[pl.ds(r0 + j * K, K)], rowsv)
            pltpu.sync_copy(rowsv, outx_hbm.at[pl.ds(o0 + j * K, K)])

        plsc.subcore_barrier()

        pltpu.sync_copy(zx_hbm, rowsv)

        @pl.loop(0, nzc)
        def _(j):
            pltpu.sync_copy(rowsv, agg_sh.at[pl.ds(r0 + j * K, K)])

        plsc.subcore_barrier()

        @pl.loop(0, n_iter)
        def _(i):
            base = base0 + i * K
            pltpu.sync_copy(dst_hbm.at[pl.ds(base, K)], dstv)
            pltpu.sync_copy(ec_hbm.at[pl.ds(base, K)], rowsv)
            pltpu.sync_copy(rowsv, agg_sh.at[dstv], add=True)

        plsc.subcore_barrier()

        @pl.loop(0, nzc)
        def _(j):
            pltpu.sync_copy(agg_sh.at[pl.ds(r0 + j * K, K)], rowsv)
            pltpu.sync_copy(rowsv, outec_hbm.at[pl.ds(o0 + j * K, K)])

    return sc_agg(x2d, srcp, dstp, ec128, zx)


def _tc_apply(aggx, aggec, x2dp, wmx, wext, wax, wah, ba2, de, bn):
    n_pad, din = x2dp.shape
    dout = wax.shape[1]

    def body(ax_ref, ae_ref, x_ref, wmx_ref, we_ref, wax_ref, wah_ref,
             ba_ref, o_ref):
        sx = ax_ref[0] + ax_ref[1]
        sec = ae_ref[0] + ae_ref[1]
        cnt = sec[:, de:de + 1]
        num = (jnp.dot(sx, wmx_ref[...], preferred_element_type=jnp.float32)
               + jnp.dot(sec, we_ref[...], preferred_element_type=jnp.float32))
        hn = num / jnp.maximum(cnt, 1.0)
        h = (jnp.dot(x_ref[...], wax_ref[...],
                     preferred_element_type=jnp.float32)
             + jnp.dot(hn, wah_ref[...], preferred_element_type=jnp.float32)
             + ba_ref[...])
        o_ref[...] = jnp.maximum(h, 0.0)

    return pl.pallas_call(
        body,
        grid=(n_pad // bn,),
        in_specs=[
            pl.BlockSpec((NC, bn, din), lambda i: (0, i, 0)),
            pl.BlockSpec((NC, bn, din), lambda i: (0, i, 0)),
            pl.BlockSpec((bn, din), lambda i: (i, 0)),
            pl.BlockSpec((din, dout), lambda i: (0, 0)),
            pl.BlockSpec((din, dout), lambda i: (0, 0)),
            pl.BlockSpec((din, dout), lambda i: (0, 0)),
            pl.BlockSpec((dout, dout), lambda i: (0, 0)),
            pl.BlockSpec((1, dout), lambda i: (0, 0)),
        ],
        out_specs=pl.BlockSpec((bn, dout), lambda i: (i, 0)),
        out_shape=jax.ShapeDtypeStruct((n_pad, dout), jnp.float32),
    )(aggx, aggec, x2dp, wmx, wext, wax, wah, ba2)


def kernel(edge_index, nfeats, efeats, Wm, bm, Wa, ba):
    n = nfeats.shape[0]
    e = edge_index.shape[1]
    din = nfeats.shape[2]
    de = efeats.shape[2]
    dout = Wm.shape[0]

    x2d = nfeats.reshape(n, din)
    src = edge_index[0]
    dst = edge_index[1]

    e_pad = ((e + NW * K - 1) // (NW * K)) * (NW * K)
    npe = e_pad - e
    n_pad = ((n + 256 + 127) // 128) * 128
    trash = n_pad - n
    pad_ids = jnp.arange(npe, dtype=jnp.int32)
    srcp = jnp.concatenate([src, pad_ids % n])
    dstp = jnp.concatenate([dst, n + (pad_ids % trash)])
    ec128 = jnp.concatenate(
        [efeats.reshape(e, de),
         jnp.ones((e, 1), jnp.float32),
         jnp.zeros((e, din - de - 1), jnp.float32)], axis=1)
    ec128 = jnp.concatenate(
        [ec128, jnp.zeros((npe, din), jnp.float32)], axis=0)

    zx = jnp.zeros((K, din), jnp.float32)

    aggx, aggec = _sc_aggregate(x2d, srcp, dstp, ec128, zx, n_pad, e_pad)
    aggx = aggx.reshape(NC, n_pad, din)
    aggec = aggec.reshape(NC, n_pad, din)

    wmx = Wm[:, :din].T
    wext = jnp.concatenate(
        [Wm[:, din:].T, bm[None, :], jnp.zeros((din - de - 1, dout))], axis=0)
    wax = Wa[:, :din].T
    wah = Wa[:, din:].T
    ba2 = ba[None, :]

    x2dp = jnp.concatenate([x2d, jnp.zeros((n_pad - n, din), jnp.float32)])
    out = _tc_apply(aggx, aggec, x2dp, wmx, wext, wax, wah, ba2, de, bn=1024)
    return out[:n].reshape(n, 1, dout)

# --- scband reference (transcript-rebuilt; emitter-appended) ---
"""Pipeline reference for scband-sagelayer-3985729651443 (READ-ONLY COPY).

The authoritative reference and input builder live on the scoring server;
editing this copy changes nothing except your own understanding.
"""

import jax, jax.numpy as jnp
import numpy as np

N = 10000
E = 320000
DIN = 128
DE = 4
DOUT = 128


def setup_inputs(seed: int = 0) -> dict:
    key = jax.random.key(seed)
    ks = jax.random.split(key, 8)
    nfeats = jax.random.normal(ks[0], (N, 1, DIN), dtype=jnp.float32)
    efeats = jax.random.normal(ks[1], (E, 1, DE), dtype=jnp.float32)
    edge_index = jax.random.randint(ks[2], (2, E), 0, N, dtype=jnp.int32)
    # W_msg: Linear(DIN+DE -> DOUT); W_apply: Linear(DIN+DOUT -> DOUT)
    Wm = jax.random.normal(ks[3], (DOUT, DIN + DE), dtype=jnp.float32) * (1.0 / np.sqrt(DIN + DE))
    bm = jax.random.normal(ks[4], (DOUT,), dtype=jnp.float32) * 0.01
    Wa = jax.random.normal(ks[5], (DOUT, DIN + DOUT), dtype=jnp.float32) * (1.0 / np.sqrt(DIN + DOUT))
    ba = jax.random.normal(ks[6], (DOUT,), dtype=jnp.float32) * 0.01
    return {"edge_index": edge_index, "nfeats": nfeats, "efeats": efeats,
            "Wm": Wm, "bm": bm, "Wa": Wa, "ba": ba}


def reference(edge_index, nfeats, efeats, Wm, bm, Wa, ba):
    src = edge_index[0]
    dst = edge_index[1]
    # message_func: concat src node feats with edge feats along dim 2, then W_msg
    x = jnp.concatenate([jnp.take(nfeats, src, axis=0), efeats], axis=2)  # [E,1,DIN+DE]
    m = x @ Wm.T + bm  # [E,1,DOUT]
    # fn.mean('m','h_neigh'): mean of incoming messages per dst node (0 if no in-edges)
    s = jax.ops.segment_sum(m, dst, num_segments=N)  # [N,1,DOUT]
    cnt = jax.ops.segment_sum(jnp.ones((E,), dtype=jnp.float32), dst, num_segments=N)  # [N]
    h_neigh = s / jnp.maximum(cnt, 1.0)[:, None, None]
    # apply: relu(W_apply(concat([h, h_neigh], 2)))
    h = jax.nn.relu(jnp.concatenate([nfeats, h_neigh], axis=2) @ Wa.T + ba)  # [N,1,DOUT]
    return h

if __name__ == "__main__":
    import jax
    _d = setup_inputs()
    print(jax.jit(kernel)(*tuple(_d.values())))

</pallas_src>

<mosaic_0001>
#map = affine_map<(d0, d1) -> (0, 0)>
#map1 = affine_map<(d0, d1) -> (0)>
module attributes {stable_mosaic.version = 14 : i64} {
  func.func @sc_agg(%arg0: i32, %arg1: i32, %arg2: memref<10000x128xf32, #tpu.memory_space<hbm>>, %arg3: memref<323584xi32, #tpu.memory_space<hbm>>, %arg4: memref<323584xi32, #tpu.memory_space<hbm>>, %arg5: memref<323584x128xf32, #tpu.memory_space<hbm>>, %arg6: memref<128x128xf32, #tpu.memory_space<hbm>>, %arg7: memref<20736x128xf32, #tpu.memory_space<hbm>>, %arg8: memref<20736x128xf32, #tpu.memory_space<hbm>>, %arg9: memref<128xi32, #tpu.memory_space<vmem>>, %arg10: memref<128xi32, #tpu.memory_space<vmem>>, %arg11: memref<128x128xf32, #tpu.memory_space<vmem>>, %arg12: memref<10368x128xf32, #tpu.memory_space<vmem_shared>>, %arg13: memref<!tpu.dma_semaphore, #tpu.memory_space<semaphore_mem>>) attributes {dimension_semantics = [#tpu.dimension_semantics<core_parallel>, #tpu.dimension_semantics<subcore_parallel>], iteration_bounds = array<i64: 2, 16>, scalar_prefetch = 0 : i64, scratch_operands = 5 : i64, tpu.core_type = #tpu.core_type<sc_vector_subcore>, window_params = [{transform_indices = #map}, {transform_indices = #map1}, {transform_indices = #map1}, {transform_indices = #map}, {transform_indices = #map}, {transform_indices = #map}, {transform_indices = #map}]} {
    %mul3A = arith.constant 16 : i32
    %mul3A_0 = arith.muli %arg0, %mul3A : i32
    %add3A = arith.addi %mul3A_0, %arg1 : i32
    %mul3A_1 = arith.constant 648 : i32
    %mul3A_2 = arith.muli %arg1, %mul3A_1 : i32
    %mul3A_3 = arith.constant 10368 : i32
    %mul3A_4 = arith.muli %arg0, %mul3A_3 : i32
    %add3A_5 = arith.addi %mul3A_4, %mul3A_2 : i32
    %mul3A_6 = arith.constant 10112 : i32
    %mul3A_7 = arith.muli %add3A, %mul3A_6 : i32
    "tpu.region"() ({
      %run_scoped3A = tpu.sem_alloc : memref<!tpu.dma_semaphore, #tpu.memory_space<semaphore_mem>>
      tpu.enqueue_dma source(%arg6 : memref<128x128xf32, #tpu.memory_space<hbm>>) target(%arg11 : memref<128x128xf32, #tpu.memory_space<vmem>>) target_semaphore(%run_scoped3A : memref<!tpu.dma_semaphore, #tpu.memory_space<semaphore_mem>>)
      tpu.wait_dma2 semaphore(%run_scoped3A : memref<!tpu.dma_semaphore, #tpu.memory_space<semaphore_mem>>) src(%arg6 : memref<128x128xf32, #tpu.memory_space<hbm>>) dst(%arg11 : memref<128x128xf32, #tpu.memory_space<vmem>>)
      tpu.yield
    }) : () -> ()
    %scan3A = arith.constant 0 : i32
    %scan3A_8 = arith.constant 5 : i32
    %scan3A_9 = arith.addi %scan3A, %scan3A_8 : i32
    %scan3A_10 = arith.constant 1 : i32
    scf.for %scan3A_41 = %scan3A to %scan3A_9 step %scan3A_10  : i32 {
      %mul3A_42 = arith.constant 1 : i32
      %mul3A_43 = arith.muli %scan3A_41, %mul3A_42 : i32
      %add3A_44 = arith.constant 0 : i32
      %add3A_45 = arith.addi %add3A_44, %mul3A_43 : i32
      %mul3A_46 = arith.constant 128 : i32
      %mul3A_47 = arith.muli %add3A_45, %mul3A_46 : i32
      %add3A_48 = arith.addi %mul3A_2, %mul3A_47 : i32
      "tpu.region"() ({
        %run_scoped3A = tpu.sem_alloc : memref<!tpu.dma_semaphore, #tpu.memory_space<semaphore_mem>>
        %dma_start3A = arith.constant 0 : i32
        %dma_start3A_49 = tpu.memref_slice %arg12[%add3A_48, %dma_start3A] : memref<10368x128xf32, #tpu.memory_space<vmem_shared>> -> memref<128x128xf32, #tpu.memory_space<vmem_shared>>
        %dma_start3A_50 = arith.constant 0 : i32
        %dma_start3A_51 = tpu.memref_slice %arg12[%add3A_48, %dma_start3A_50] : memref<10368x128xf32, #tpu.memory_space<vmem_shared>> -> memref<128x128xf32, #tpu.memory_space<vmem_shared>>
        tpu.enqueue_dma source(%arg11 : memref<128x128xf32, #tpu.memory_space<vmem>>) target(%dma_start3A_51 : memref<128x128xf32, #tpu.memory_space<vmem_shared>>) target_semaphore(%run_scoped3A : memref<!tpu.dma_semaphore, #tpu.memory_space<semaphore_mem>>)
        %dma_wait3A = arith.constant 0 : i32
        %dma_wait3A_52 = tpu.memref_slice %arg12[%add3A_48, %dma_wait3A] : memref<10368x128xf32, #tpu.memory_space<vmem_shared>> -> memref<128x128xf32, #tpu.memory_space<vmem_shared>>
        %dma_wait3A_53 = arith.constant 0 : i32
        %dma_wait3A_54 = tpu.memref_slice %arg12[%add3A_48, %dma_wait3A_53] : memref<10368x128xf32, #tpu.memory_space<vmem_shared>> -> memref<128x128xf32, #tpu.memory_space<vmem_shared>>
        tpu.wait_dma2 semaphore(%run_scoped3A : memref<!tpu.dma_semaphore, #tpu.memory_space<semaphore_mem>>) src(%arg11 : memref<128x128xf32, #tpu.memory_space<vmem>>) dst(%dma_wait3A_54 : memref<128x128xf32, #tpu.memory_space<vmem_shared>>)
        tpu.yield
      }) : () -> ()
    }
    %scan3A_11 = arith.constant 5 : i32
    %barrier3A = arith.constant 0 : index
    tpu.barrier barrier_id(%barrier3A)
    %scan3A_12 = arith.constant 0 : i32
    %scan3A_13 = arith.constant 79 : i32
    %scan3A_14 = arith.addi %scan3A_12, %scan3A_13 : i32
    %scan3A_15 = arith.constant 1 : i32
    scf.for %scan3A_41 = %scan3A_12 to %scan3A_14 step %scan3A_15  : i32 {
      %mul3A_42 = arith.constant 1 : i32
      %mul3A_43 = arith.muli %scan3A_41, %mul3A_42 : i32
      %add3A_44 = arith.constant 0 : i32
      %add3A_45 = arith.addi %add3A_44, %mul3A_43 : i32
      %mul3A_46 = arith.constant 128 : i32
      %mul3A_47 = arith.muli %add3A_45, %mul3A_46 : i32
      %add3A_48 = arith.addi %mul3A_7, %mul3A_47 : i32
      "tpu.region"() ({
        %run_scoped3A = tpu.sem_alloc : memref<!tpu.dma_semaphore, #tpu.memory_space<semaphore_mem>>
        %dma_start3A_53 = tpu.memref_slice %arg3[%add3A_48] : memref<323584xi32, #tpu.memory_space<hbm>> -> memref<128xi32, #tpu.memory_space<hbm>>
        %dma_start3A_54 = tpu.memref_slice %arg3[%add3A_48] : memref<323584xi32, #tpu.memory_space<hbm>> -> memref<128xi32, #tpu.memory_space<hbm>>
        tpu.enqueue_dma source(%dma_start3A_54 : memref<128xi32, #tpu.memory_space<hbm>>) target(%arg9 : memref<128xi32, #tpu.memory_space<vmem>>) target_semaphore(%run_scoped3A : memref<!tpu.dma_semaphore, #tpu.memory_space<semaphore_mem>>)
        %dma_wait3A_55 = tpu.memref_slice %arg3[%add3A_48] : memref<323584xi32, #tpu.memory_space<hbm>> -> memref<128xi32, #tpu.memory_space<hbm>>
        %dma_wait3A_56 = tpu.memref_slice %arg3[%add3A_48] : memref<323584xi32, #tpu.memory_space<hbm>> -> memref<128xi32, #tpu.memory_space<hbm>>
        tpu.wait_dma2 semaphore(%run_scoped3A : memref<!tpu.dma_semaphore, #tpu.memory_space<semaphore_mem>>) src(%dma_wait3A_56 : memref<128xi32, #tpu.memory_space<hbm>>) dst(%arg9 : memref<128xi32, #tpu.memory_space<vmem>>)
        tpu.yield
      }) : () -> ()
      "tpu.region"() ({
        %run_scoped3A = tpu.sem_alloc : memref<!tpu.dma_semaphore, #tpu.memory_space<semaphore_mem>>
        %dma_start3A_53 = tpu.memref_slice %arg4[%add3A_48] : memref<323584xi32, #tpu.memory_space<hbm>> -> memref<128xi32, #tpu.memory_space<hbm>>
        %dma_start3A_54 = tpu.memref_slice %arg4[%add3A_48] : memref<323584xi32, #tpu.memory_space<hbm>> -> memref<128xi32, #tpu.memory_space<hbm>>
        tpu.enqueue_dma source(%dma_start3A_54 : memref<128xi32, #tpu.memory_space<hbm>>) target(%arg10 : memref<128xi32, #tpu.memory_space<vmem>>) target_semaphore(%run_scoped3A : memref<!tpu.dma_semaphore, #tpu.memory_space<semaphore_mem>>)
        %dma_wait3A_55 = tpu.memref_slice %arg4[%add3A_48] : memref<323584xi32, #tpu.memory_space<hbm>> -> memref<128xi32, #tpu.memory_space<hbm>>
        %dma_wait3A_56 = tpu.memref_slice %arg4[%add3A_48] : memref<323584xi32, #tpu.memory_space<hbm>> -> memref<128xi32, #tpu.memory_space<hbm>>
        tpu.wait_dma2 semaphore(%run_scoped3A : memref<!tpu.dma_semaphore, #tpu.memory_space<semaphore_mem>>) src(%dma_wait3A_56 : memref<128xi32, #tpu.memory_space<hbm>>) dst(%arg10 : memref<128xi32, #tpu.memory_space<vmem>>)
        tpu.yield
      }) : () -> ()
      %dma_start3A = arith.constant 0 : i32
      %dma_start3A_49 = arith.constant 0 : i32
      %dma_start3A_50 = tpu.memref_slice %arg2[%dma_start3A, %dma_start3A_49] : memref<10000x128xf32, #tpu.memory_space<hbm>> -> memref<10000x128xf32, #tpu.memory_space<hbm>>
      tpu.enqueue_indirect_dma source(%dma_start3A_50 : memref<10000x128xf32, #tpu.memory_space<hbm>>) target(%arg11 : memref<128x128xf32, #tpu.memory_space<vmem>>) offsets(%arg9 : memref<128xi32, #tpu.memory_space<vmem>>) semaphore(%arg13 : memref<!tpu.dma_semaphore, #tpu.memory_space<semaphore_mem>>)
      %dma_wait3A = arith.constant 0 : i32
      %dma_wait3A_51 = arith.constant 0 : i32
      %dma_wait3A_52 = tpu.memref_slice %arg2[%dma_wait3A, %dma_wait3A_51] : memref<10000x128xf32, #tpu.memory_space<hbm>> -> memref<10000x128xf32, #tpu.memory_space<hbm>>
      tpu.wait_indirect_dma semaphore(%arg13 : memref<!tpu.dma_semaphore, #tpu.memory_space<semaphore_mem>>) src(%dma_wait3A_52 : memref<10000x128xf32, #tpu.memory_space<hbm>>) dst(%arg11 : memref<128x128xf32, #tpu.memory_space<vmem>>)
      "tpu.region"() ({
        %run_scoped3A = tpu.sem_alloc : memref<!tpu.dma_semaphore, #tpu.memory_space<semaphore_mem>>
        %dma_start3A_53 = arith.constant 0 : i32
        %dma_start3A_54 = arith.constant 0 : i32
        %dma_start3A_55 = tpu.memref_slice %arg12[%dma_start3A_53, %dma_start3A_54] : memref<10368x128xf32, #tpu.memory_space<vmem_shared>> -> memref<10368x128xf32, #tpu.memory_space<vmem_shared>>
        tpu.enqueue_indirect_dma source(%arg11 : memref<128x128xf32, #tpu.memory_space<vmem>>) target(%dma_start3A_55 : memref<10368x128xf32, #tpu.memory_space<vmem_shared>>) offsets(%arg10 : memref<128xi32, #tpu.memory_space<vmem>>) semaphore(%run_scoped3A : memref<!tpu.dma_semaphore, #tpu.memory_space<semaphore_mem>>) {add = true}
        %dma_wait3A_56 = arith.constant 0 : i32
        %dma_wait3A_57 = arith.constant 0 : i32
        %dma_wait3A_58 = tpu.memref_slice %arg12[%dma_wait3A_56, %dma_wait3A_57] : memref<10368x128xf32, #tpu.memory_space<vmem_shared>> -> memref<10368x128xf32, #tpu.memory_space<vmem_shared>>
        tpu.wait_indirect_dma semaphore(%run_scoped3A : memref<!tpu.dma_semaphore, #tpu.memory_space<semaphore_mem>>) src(%arg11 : memref<128x128xf32, #tpu.memory_space<vmem>>) dst(%dma_wait3A_58 : memref<10368x128xf32, #tpu.memory_space<vmem_shared>>)
        tpu.yield
      }) : () -> ()
    }
    %scan3A_16 = arith.constant 79 : i32
    %barrier3A_17 = arith.constant 0 : index
    tpu.barrier barrier_id(%barrier3A_17)
    %scan3A_18 = arith.constant 0 : i32
    %scan3A_19 = arith.constant 5 : i32
    %scan3A_20 = arith.addi %scan3A_18, %scan3A_19 : i32
    %scan3A_21 = arith.constant 1 : i32
    scf.for %scan3A_41 = %scan3A_18 to %scan3A_20 step %scan3A_21  : i32 {
      %mul3A_42 = arith.constant 1 : i32
      %mul3A_43 = arith.muli %scan3A_41, %mul3A_42 : i32
      %add3A_44 = arith.constant 0 : i32
      %add3A_45 = arith.addi %add3A_44, %mul3A_43 : i32
      %mul3A_46 = arith.constant 128 : i32
      %mul3A_47 = arith.muli %add3A_45, %mul3A_46 : i32
      %add3A_48 = arith.addi %mul3A_2, %mul3A_47 : i32
      "tpu.region"() ({
        %run_scoped3A = tpu.sem_alloc : memref<!tpu.dma_semaphore, #tpu.memory_space<semaphore_mem>>
        %dma_start3A = arith.constant 0 : i32
        %dma_start3A_52 = tpu.memref_slice %arg12[%add3A_48, %dma_start3A] : memref<10368x128xf32, #tpu.memory_space<vmem_shared>> -> memref<128x128xf32, #tpu.memory_space<vmem_shared>>
        %dma_start3A_53 = arith.constant 0 : i32
        %dma_start3A_54 = tpu.memref_slice %arg12[%add3A_48, %dma_start3A_53] : memref<10368x128xf32, #tpu.memory_space<vmem_shared>> -> memref<128x128xf32, #tpu.memory_space<vmem_shared>>
        tpu.enqueue_dma source(%dma_start3A_54 : memref<128x128xf32, #tpu.memory_space<vmem_shared>>) target(%arg11 : memref<128x128xf32, #tpu.memory_space<vmem>>) target_semaphore(%run_scoped3A : memref<!tpu.dma_semaphore, #tpu.memory_space<semaphore_mem>>)
        %dma_wait3A = arith.constant 0 : i32
        %dma_wait3A_55 = tpu.memref_slice %arg12[%add3A_48, %dma_wait3A] : memref<10368x128xf32, #tpu.memory_space<vmem_shared>> -> memref<128x128xf32, #tpu.memory_space<vmem_shared>>
        %dma_wait3A_56 = arith.constant 0 : i32
        %dma_wait3A_57 = tpu.memref_slice %arg12[%add3A_48, %dma_wait3A_56] : memref<10368x128xf32, #tpu.memory_space<vmem_shared>> -> memref<128x128xf32, #tpu.memory_space<vmem_shared>>
        tpu.wait_dma2 semaphore(%run_scoped3A : memref<!tpu.dma_semaphore, #tpu.memory_space<semaphore_mem>>) src(%dma_wait3A_57 : memref<128x128xf32, #tpu.memory_space<vmem_shared>>) dst(%arg11 : memref<128x128xf32, #tpu.memory_space<vmem>>)
        tpu.yield
      }) : () -> ()
      %mul3A_49 = arith.constant 128 : i32
      %mul3A_50 = arith.muli %add3A_45, %mul3A_49 : i32
      %add3A_51 = arith.addi %add3A_5, %mul3A_50 : i32
      "tpu.region"() ({
        %run_scoped3A = tpu.sem_alloc : memref<!tpu.dma_semaphore, #tpu.memory_space<semaphore_mem>>
        %dma_start3A = arith.constant 0 : i32
        %dma_start3A_52 = tpu.memref_slice %arg7[%add3A_51, %dma_start3A] : memref<20736x128xf32, #tpu.memory_space<hbm>> -> memref<128x128xf32, #tpu.memory_space<hbm>>
        %dma_start3A_53 = arith.constant 0 : i32
        %dma_start3A_54 = tpu.memref_slice %arg7[%add3A_51, %dma_start3A_53] : memref<20736x128xf32, #tpu.memory_space<hbm>> -> memref<128x128xf32, #tpu.memory_space<hbm>>
        tpu.enqueue_dma source(%arg11 : memref<128x128xf32, #tpu.memory_space<vmem>>) target(%dma_start3A_54 : memref<128x128xf32, #tpu.memory_space<hbm>>) target_semaphore(%run_scoped3A : memref<!tpu.dma_semaphore, #tpu.memory_space<semaphore_mem>>)
        %dma_wait3A = arith.constant 0 : i32
        %dma_wait3A_55 = tpu.memref_slice %arg7[%add3A_51, %dma_wait3A] : memref<20736x128xf32, #tpu.memory_space<hbm>> -> memref<128x128xf32, #tpu.memory_space<hbm>>
        %dma_wait3A_56 = arith.constant 0 : i32
        %dma_wait3A_57 = tpu.memref_slice %arg7[%add3A_51, %dma_wait3A_56] : memref<20736x128xf32, #tpu.memory_space<hbm>> -> memref<128x128xf32, #tpu.memory_space<hbm>>
        tpu.wait_dma2 semaphore(%run_scoped3A : memref<!tpu.dma_semaphore, #tpu.memory_space<semaphore_mem>>) src(%arg11 : memref<128x128xf32, #tpu.memory_space<vmem>>) dst(%dma_wait3A_57 : memref<128x128xf32, #tpu.memory_space<hbm>>)
        tpu.yield
      }) : () -> ()
    }
    %scan3A_22 = arith.constant 5 : i32
    %barrier3A_23 = arith.constant 0 : index
    tpu.barrier barrier_id(%barrier3A_23)
    "tpu.region"() ({
      %run_scoped3A = tpu.sem_alloc : memref<!tpu.dma_semaphore, #tpu.memory_space<semaphore_mem>>
      tpu.enqueue_dma source(%arg6 : memref<128x128xf32, #tpu.memory_space<hbm>>) target(%arg11 : memref<128x128xf32, #tpu.memory_space<vmem>>) target_semaphore(%run_scoped3A : memref<!tpu.dma_semaphore, #tpu.memory_space<semaphore_mem>>)
      tpu.wait_dma2 semaphore(%run_scoped3A : memref<!tpu.dma_semaphore, #tpu.memory_space<semaphore_mem>>) src(%arg6 : memref<128x128xf32, #tpu.memory_space<hbm>>) dst(%arg11 : memref<128x128xf32, #tpu.memory_space<vmem>>)
      tpu.yield
    }) : () -> ()
    %scan3A_24 = arith.constant 0 : i32
    %scan3A_25 = arith.constant 5 : i32
    %scan3A_26 = arith.addi %scan3A_24, %scan3A_25 : i32
    %scan3A_27 = arith.constant 1 : i32
    scf.for %scan3A_41 = %scan3A_24 to %scan3A_26 step %scan3A_27  : i32 {
      %mul3A_42 = arith.constant 1 : i32
      %mul3A_43 = arith.muli %scan3A_41, %mul3A_42 : i32
      %add3A_44 = arith.constant 0 : i32
      %add3A_45 = arith.addi %add3A_44, %mul3A_43 : i32
      %mul3A_46 = arith.constant 128 : i32
      %mul3A_47 = arith.muli %add3A_45, %mul3A_46 : i32
      %add3A_48 = arith.addi %mul3A_2, %mul3A_47 : i32
      "tpu.region"() ({
        %run_scoped3A = tpu.sem_alloc : memref<!tpu.dma_semaphore, #tpu.memory_space<semaphore_mem>>
        %dma_start3A = arith.constant 0 : i32
        %dma_start3A_49 = tpu.memref_slice %arg12[%add3A_48, %dma_start3A] : memref<10368x128xf32, #tpu.memory_space<vmem_shared>> -> memref<128x128xf32, #tpu.memory_space<vmem_shared>>
        %dma_start3A_50 = arith.constant 0 : i32
        %dma_start3A_51 = tpu.memref_slice %arg12[%add3A_48, %dma_start3A_50] : memref<10368x128xf32, #tpu.memory_space<vmem_shared>> -> memref<128x128xf32, #tpu.memory_space<vmem_shared>>
        tpu.enqueue_dma source(%arg11 : memref<128x128xf32, #tpu.memory_space<vmem>>) target(%dma_start3A_51 : memref<128x128xf32, #tpu.memory_space<vmem_shared>>) target_semaphore(%run_scoped3A : memref<!tpu.dma_semaphore, #tpu.memory_space<semaphore_mem>>)
        %dma_wait3A = arith.constant 0 : i32
        %dma_wait3A_52 = tpu.memref_slice %arg12[%add3A_48, %dma_wait3A] : memref<10368x128xf32, #tpu.memory_space<vmem_shared>> -> memref<128x128xf32, #tpu.memory_space<vmem_shared>>
        %dma_wait3A_53 = arith.constant 0 : i32
        %dma_wait3A_54 = tpu.memref_slice %arg12[%add3A_48, %dma_wait3A_53] : memref<10368x128xf32, #tpu.memory_space<vmem_shared>> -> memref<128x128xf32, #tpu.memory_space<vmem_shared>>
        tpu.wait_dma2 semaphore(%run_scoped3A : memref<!tpu.dma_semaphore, #tpu.memory_space<semaphore_mem>>) src(%arg11 : memref<128x128xf32, #tpu.memory_space<vmem>>) dst(%dma_wait3A_54 : memref<128x128xf32, #tpu.memory_space<vmem_shared>>)
        tpu.yield
      }) : () -> ()
    }
    %scan3A_28 = arith.constant 5 : i32
    %barrier3A_29 = arith.constant 0 : index
    tpu.barrier barrier_id(%barrier3A_29)
    %scan3A_30 = arith.constant 0 : i32
    %scan3A_31 = arith.constant 79 : i32
    %scan3A_32 = arith.addi %scan3A_30, %scan3A_31 : i32
    %scan3A_33 = arith.constant 1 : i32
    scf.for %scan3A_41 = %scan3A_30 to %scan3A_32 step %scan3A_33  : i32 {
      %mul3A_42 = arith.constant 1 : i32
      %mul3A_43 = arith.muli %scan3A_41, %mul3A_42 : i32
      %add3A_44 = arith.constant 0 : i32
      %add3A_45 = arith.addi %add3A_44, %mul3A_43 : i32
      %mul3A_46 = arith.constant 128 : i32
      %mul3A_47 = arith.muli %add3A_45, %mul3A_46 : i32
      %add3A_48 = arith.addi %mul3A_7, %mul3A_47 : i32
      "tpu.region"() ({
        %run_scoped3A = tpu.sem_alloc : memref<!tpu.dma_semaphore, #tpu.memory_space<semaphore_mem>>
        %dma_start3A = tpu.memref_slice %arg4[%add3A_48] : memref<323584xi32, #tpu.memory_space<hbm>> -> memref<128xi32, #tpu.memory_space<hbm>>
        %dma_start3A_49 = tpu.memref_slice %arg4[%add3A_48] : memref<323584xi32, #tpu.memory_space<hbm>> -> memref<128xi32, #tpu.memory_space<hbm>>
        tpu.enqueue_dma source(%dma_start3A_49 : memref<128xi32, #tpu.memory_space<hbm>>) target(%arg10 : memref<128xi32, #tpu.memory_space<vmem>>) target_semaphore(%run_scoped3A : memref<!tpu.dma_semaphore, #tpu.memory_space<semaphore_mem>>)
        %dma_wait3A = tpu.memref_slice %arg4[%add3A_48] : memref<323584xi32, #tpu.memory_space<hbm>> -> memref<128xi32, #tpu.memory_space<hbm>>
        %dma_wait3A_50 = tpu.memref_slice %arg4[%add3A_48] : memref<323584xi32, #tpu.memory_space<hbm>> -> memref<128xi32, #tpu.memory_space<hbm>>
        tpu.wait_dma2 semaphore(%run_scoped3A : memref<!tpu.dma_semaphore, #tpu.memory_space<semaphore_mem>>) src(%dma_wait3A_50 : memref<128xi32, #tpu.memory_space<hbm>>) dst(%arg10 : memref<128xi32, #tpu.memory_space<vmem>>)
        tpu.yield
      }) : () -> ()
      "tpu.region"() ({
        %run_scoped3A = tpu.sem_alloc : memref<!tpu.dma_semaphore, #tpu.memory_space<semaphore_mem>>
        %dma_start3A = arith.constant 0 : i32
        %dma_start3A_49 = tpu.memref_slice %arg5[%add3A_48, %dma_start3A] : memref<323584x128xf32, #tpu.memory_space<hbm>> -> memref<128x128xf32, #tpu.memory_space<hbm>>
        %dma_start3A_50 = arith.constant 0 : i32
        %dma_start3A_51 = tpu.memref_slice %arg5[%add3A_48, %dma_start3A_50] : memref<323584x128xf32, #tpu.memory_space<hbm>> -> memref<128x128xf32, #tpu.memory_space<hbm>>
        tpu.enqueue_dma source(%dma_start3A_51 : memref<128x128xf32, #tpu.memory_space<hbm>>) target(%arg11 : memref<128x128xf32, #tpu.memory_space<vmem>>) target_semaphore(%run_scoped3A : memref<!tpu.dma_semaphore, #tpu.memory_space<semaphore_mem>>)
        %dma_wait3A = arith.constant 0 : i32
        %dma_wait3A_52 = tpu.memref_slice %arg5[%add3A_48, %dma_wait3A] : memref<323584x128xf32, #tpu.memory_space<hbm>> -> memref<128x128xf32, #tpu.memory_space<hbm>>
        %dma_wait3A_53 = arith.constant 0 : i32
        %dma_wait3A_54 = tpu.memref_slice %arg5[%add3A_48, %dma_wait3A_53] : memref<323584x128xf32, #tpu.memory_space<hbm>> -> memref<128x128xf32, #tpu.memory_space<hbm>>
        tpu.wait_dma2 semaphore(%run_scoped3A : memref<!tpu.dma_semaphore, #tpu.memory_space<semaphore_mem>>) src(%dma_wait3A_54 : memref<128x128xf32, #tpu.memory_space<hbm>>) dst(%arg11 : memref<128x128xf32, #tpu.memory_space<vmem>>)
        tpu.yield
      }) : () -> ()
      "tpu.region"() ({
        %run_scoped3A = tpu.sem_alloc : memref<!tpu.dma_semaphore, #tpu.memory_space<semaphore_mem>>
        %dma_start3A = arith.constant 0 : i32
        %dma_start3A_49 = arith.constant 0 : i32
        %dma_start3A_50 = tpu.memref_slice %arg12[%dma_start3A, %dma_start3A_49] : memref<10368x128xf32, #tpu.memory_space<vmem_shared>> -> memref<10368x128xf32, #tpu.memory_space<vmem_shared>>
        tpu.enqueue_indirect_dma source(%arg11 : memref<128x128xf32, #tpu.memory_space<vmem>>) target(%dma_start3A_50 : memref<10368x128xf32, #tpu.memory_space<vmem_shared>>) offsets(%arg10 : memref<128xi32, #tpu.memory_space<vmem>>) semaphore(%run_scoped3A : memref<!tpu.dma_semaphore, #tpu.memory_space<semaphore_mem>>) {add = true}
        %dma_wait3A = arith.constant 0 : i32
        %dma_wait3A_51 = arith.constant 0 : i32
        %dma_wait3A_52 = tpu.memref_slice %arg12[%dma_wait3A, %dma_wait3A_51] : memref<10368x128xf32, #tpu.memory_space<vmem_shared>> -> memref<10368x128xf32, #tpu.memory_space<vmem_shared>>
        tpu.wait_indirect_dma semaphore(%run_scoped3A : memref<!tpu.dma_semaphore, #tpu.memory_space<semaphore_mem>>) src(%arg11 : memref<128x128xf32, #tpu.memory_space<vmem>>) dst(%dma_wait3A_52 : memref<10368x128xf32, #tpu.memory_space<vmem_shared>>)
        tpu.yield
      }) : () -> ()
    }
    %scan3A_34 = arith.constant 79 : i32
    %barrier3A_35 = arith.constant 0 : index
    tpu.barrier barrier_id(%barrier3A_35)
    %scan3A_36 = arith.constant 0 : i32
    %scan3A_37 = arith.constant 5 : i32
    %scan3A_38 = arith.addi %scan3A_36, %scan3A_37 : i32
    %scan3A_39 = arith.constant 1 : i32
    scf.for %scan3A_41 = %scan3A_36 to %scan3A_38 step %scan3A_39  : i32 {
      %mul3A_42 = arith.constant 1 : i32
      %mul3A_43 = arith.muli %scan3A_41, %mul3A_42 : i32
      %add3A_44 = arith.constant 0 : i32
      %add3A_45 = arith.addi %add3A_44, %mul3A_43 : i32
      %mul3A_46 = arith.constant 128 : i32
      %mul3A_47 = arith.muli %add3A_45, %mul3A_46 : i32
      %add3A_48 = arith.addi %mul3A_2, %mul3A_47 : i32
      "tpu.region"() ({
        %run_scoped3A = tpu.sem_alloc : memref<!tpu.dma_semaphore, #tpu.memory_space<semaphore_mem>>
        %dma_start3A = arith.constant 0 : i32
        %dma_start3A_52 = tpu.memref_slice %arg12[%add3A_48, %dma_start3A] : memref<10368x128xf32, #tpu.memory_space<vmem_shared>> -> memref<128x128xf32, #tpu.memory_space<vmem_shared>>
        %dma_start3A_53 = arith.constant 0 : i32
        %dma_start3A_54 = tpu.memref_slice %arg12[%add3A_48, %dma_start3A_53] : memref<10368x128xf32, #tpu.memory_space<vmem_shared>> -> memref<128x128xf32, #tpu.memory_space<vmem_shared>>
        tpu.enqueue_dma source(%dma_start3A_54 : memref<128x128xf32, #tpu.memory_space<vmem_shared>>) target(%arg11 : memref<128x128xf32, #tpu.memory_space<vmem>>) target_semaphore(%run_scoped3A : memref<!tpu.dma_semaphore, #tpu.memory_space<semaphore_mem>>)
        %dma_wait3A = arith.constant 0 : i32
        %dma_wait3A_55 = tpu.memref_slice %arg12[%add3A_48, %dma_wait3A] : memref<10368x128xf32, #tpu.memory_space<vmem_shared>> -> memref<128x128xf32, #tpu.memory_space<vmem_shared>>
        %dma_wait3A_56 = arith.constant 0 : i32
        %dma_wait3A_57 = tpu.memref_slice %arg12[%add3A_48, %dma_wait3A_56] : memref<10368x128xf32, #tpu.memory_space<vmem_shared>> -> memref<128x128xf32, #tpu.memory_space<vmem_shared>>
        tpu.wait_dma2 semaphore(%run_scoped3A : memref<!tpu.dma_semaphore, #tpu.memory_space<semaphore_mem>>) src(%dma_wait3A_57 : memref<128x128xf32, #tpu.memory_space<vmem_shared>>) dst(%arg11 : memref<128x128xf32, #tpu.memory_space<vmem>>)
        tpu.yield
      }) : () -> ()
      %mul3A_49 = arith.constant 128 : i32
      %mul3A_50 = arith.muli %add3A_45, %mul3A_49 : i32
      %add3A_51 = arith.addi %add3A_5, %mul3A_50 : i32
      "tpu.region"() ({
        %run_scoped3A = tpu.sem_alloc : memref<!tpu.dma_semaphore, #tpu.memory_space<semaphore_mem>>
        %dma_start3A = arith.constant 0 : i32
        %dma_start3A_52 = tpu.memref_slice %arg8[%add3A_51, %dma_start3A] : memref<20736x128xf32, #tpu.memory_space<hbm>> -> memref<128x128xf32, #tpu.memory_space<hbm>>
        %dma_start3A_53 = arith.constant 0 : i32
        %dma_start3A_54 = tpu.memref_slice %arg8[%add3A_51, %dma_start3A_53] : memref<20736x128xf32, #tpu.memory_space<hbm>> -> memref<128x128xf32, #tpu.memory_space<hbm>>
        tpu.enqueue_dma source(%arg11 : memref<128x128xf32, #tpu.memory_space<vmem>>) target(%dma_start3A_54 : memref<128x128xf32, #tpu.memory_space<hbm>>) target_semaphore(%run_scoped3A : memref<!tpu.dma_semaphore, #tpu.memory_space<semaphore_mem>>)
        %dma_wait3A = arith.constant 0 : i32
        %dma_wait3A_55 = tpu.memref_slice %arg8[%add3A_51, %dma_wait3A] : memref<20736x128xf32, #tpu.memory_space<hbm>> -> memref<128x128xf32, #tpu.memory_space<hbm>>
        %dma_wait3A_56 = arith.constant 0 : i32
        %dma_wait3A_57 = tpu.memref_slice %arg8[%add3A_51, %dma_wait3A_56] : memref<20736x128xf32, #tpu.memory_space<hbm>> -> memref<128x128xf32, #tpu.memory_space<hbm>>
        tpu.wait_dma2 semaphore(%run_scoped3A : memref<!tpu.dma_semaphore, #tpu.memory_space<semaphore_mem>>) src(%arg11 : memref<128x128xf32, #tpu.memory_space<vmem>>) dst(%dma_wait3A_57 : memref<128x128xf32, #tpu.memory_space<hbm>>)
        tpu.yield
      }) : () -> ()
    }
    %scan3A_40 = arith.constant 5 : i32
    return
  }
}

module attributes {stable_mosaic.version = 14 : i64} {
  func.func @body(%arg0: i32, %arg1: memref<2x1024x128xf32, #tpu.memory_space<vmem>>, %arg2: memref<2x1024x128xf32, #tpu.memory_space<vmem>>, %arg3: memref<1024x128xf32, #tpu.memory_space<vmem>>, %arg4: memref<128x128xf32, #tpu.memory_space<vmem>>, %arg5: memref<128x128xf32, #tpu.memory_space<vmem>>, %arg6: memref<128x128xf32, #tpu.memory_space<vmem>>, %arg7: memref<128x128xf32, #tpu.memory_space<vmem>>, %arg8: memref<1x128xf32, #tpu.memory_space<vmem>>, %arg9: memref<1024x128xf32, #tpu.memory_space<vmem>>) attributes {dimension_semantics = [#tpu.dimension_semantics<arbitrary>], iteration_bounds = array<i64: 10>, scalar_prefetch = 0 : i64, scratch_operands = 0 : i64, tpu.core_type = #tpu.core_type<tc>, window_params = [{transform_indices = @transform_0, window_bounds = array<i64: 2, 1024, 128>}, {transform_indices = @transform_1, window_bounds = array<i64: 2, 1024, 128>}, {transform_indices = @transform_2, window_bounds = array<i64: 1024, 128>}, {pipeline_mode = #tpu.pipeline_mode<synchronous>, transform_indices = @transform_3, window_bounds = array<i64: 128, 128>}, {pipeline_mode = #tpu.pipeline_mode<synchronous>, transform_indices = @transform_4, window_bounds = array<i64: 128, 128>}, {pipeline_mode = #tpu.pipeline_mode<synchronous>, transform_indices = @transform_5, window_bounds = array<i64: 128, 128>}, {pipeline_mode = #tpu.pipeline_mode<synchronous>, transform_indices = @transform_6, window_bounds = array<i64: 128, 128>}, {pipeline_mode = #tpu.pipeline_mode<synchronous>, transform_indices = @transform_7, window_bounds = array<i64: 1, 128>}, {transform_indices = @transform_8, window_bounds = array<i64: 1024, 128>}]} {
    %get3A = arith.constant 0 : index
    %get3A_0 = arith.constant 0 : index
    %get3A_1 = arith.constant 0 : index
    %get3A_2 = vector.load %arg1[%get3A, %get3A_0, %get3A_1] : memref<2x1024x128xf32, #tpu.memory_space<vmem>>, vector<1x1024x128xf32>
    %get3A_3 = vector.shape_cast %get3A_2 : vector<1x1024x128xf32> to vector<1024x128xf32>
    %get3A_4 = arith.constant 1 : index
    %get3A_5 = arith.constant 0 : index
    %get3A_6 = arith.constant 0 : index
    %get3A_7 = vector.load %arg1[%get3A_4, %get3A_5, %get3A_6] : memref<2x1024x128xf32, #tpu.memory_space<vmem>>, vector<1x1024x128xf32>
    %get3A_8 = vector.shape_cast %get3A_7 : vector<1x1024x128xf32> to vector<1024x128xf32>
    %add3A = arith.addf %get3A_3, %get3A_8 : vector<1024x128xf32>
    %get3A_9 = arith.constant 0 : index
    %get3A_10 = arith.constant 0 : index
    %get3A_11 = arith.constant 0 : index
    %get3A_12 = vector.load %arg2[%get3A_9, %get3A_10, %get3A_11] : memref<2x1024x128xf32, #tpu.memory_space<vmem>>, vector<1x1024x128xf32>
    %get3A_13 = vector.shape_cast %get3A_12 : vector<1x1024x128xf32> to vector<1024x128xf32>
    %get3A_14 = arith.constant 1 : index
    %get3A_15 = arith.constant 0 : index
    %get3A_16 = arith.constant 0 : index
    %get3A_17 = vector.load %arg2[%get3A_14, %get3A_15, %get3A_16] : memref<2x1024x128xf32, #tpu.memory_space<vmem>>, vector<1x1024x128xf32>
    %get3A_18 = vector.shape_cast %get3A_17 : vector<1x1024x128xf32> to vector<1024x128xf32>
    %add3A_19 = arith.addf %get3A_13, %get3A_18 : vector<1024x128xf32>
    %slice3A = vector.extract_strided_slice %add3A_19 {offsets = [0, 4], sizes = [1024, 1], strides = [1, 1]} : vector<1024x128xf32> to vector<1024x1xf32>
    %get3A_20 = arith.constant 0 : index
    %get3A_21 = arith.constant 0 : index
    %get3A_22 = vector.load %arg4[%get3A_20, %get3A_21] : memref<128x128xf32, #tpu.memory_space<vmem>>, vector<128x128xf32>
    %dot_general3A = arith.constant dense<0.000000e+00> : vector<1024x128xf32>
    %dot_general3A_23 = tpu.matmul %add3A, %get3A_22, %dot_general3A {dimension_numbers = #tpu.dot_dimension_numbers<[1], [0], [0], [1], [0, 0, 1, 1], [], []>, transpose_lhs_hint = false} : vector<1024x128xf32>, vector<128x128xf32>, vector<1024x128xf32> -> vector<1024x128xf32>
    %get3A_24 = arith.constant 0 : index
    %get3A_25 = arith.constant 0 : index
    %get3A_26 = vector.load %arg5[%get3A_24, %get3A_25] : memref<128x128xf32, #tpu.memory_space<vmem>>, vector<128x128xf32>
    %dot_general3A_27 = arith.constant dense<0.000000e+00> : vector<1024x128xf32>
    %dot_general3A_28 = tpu.matmul %add3A_19, %get3A_26, %dot_general3A_27 {dimension_numbers = #tpu.dot_dimension_numbers<[1], [0], [0], [1], [0, 0, 1, 1], [], []>, transpose_lhs_hint = false} : vector<1024x128xf32>, vector<128x128xf32>, vector<1024x128xf32> -> vector<1024x128xf32>
    %add3A_29 = arith.addf %dot_general3A_23, %dot_general3A_28 : vector<1024x128xf32>
    %max3A = arith.constant 1.000000e+00 : f32
    %max3A_30 = vector.broadcast %max3A : f32 to vector<1024x1xf32>
    %max3A_31 = arith.maximumf %slice3A, %max3A_30 : vector<1024x1xf32>
    %div3A = vector.broadcast %max3A_31 : vector<1024x1xf32> to vector<1024x128xf32>
    %div3A_32 = arith.divf %add3A_29, %div3A : vector<1024x128xf32>
    %get3A_33 = arith.constant 0 : index
    %get3A_34 = arith.constant 0 : index
    %get3A_35 = vector.load %arg3[%get3A_33, %get3A_34] : memref<1024x128xf32, #tpu.memory_space<vmem>>, vector<1024x128xf32>
    %get3A_36 = arith.constant 0 : index
    %get3A_37 = arith.constant 0 : index
    %get3A_38 = vector.load %arg6[%get3A_36, %get3A_37] : memref<128x128xf32, #tpu.memory_space<vmem>>, vector<128x128xf32>
    %dot_general3A_39 = arith.constant dense<0.000000e+00> : vector<1024x128xf32>
    %dot_general3A_40 = tpu.matmul %get3A_35, %get3A_38, %dot_general3A_39 {dimension_numbers = #tpu.dot_dimension_numbers<[1], [0], [0], [1], [0, 0, 1, 1], [], []>, transpose_lhs_hint = false} : vector<1024x128xf32>, vector<128x128xf32>, vector<1024x128xf32> -> vector<1024x128xf32>
    %get3A_41 = arith.constant 0 : index
    %get3A_42 = arith.constant 0 : index
    %get3A_43 = vector.load %arg7[%get3A_41, %get3A_42] : memref<128x128xf32, #tpu.memory_space<vmem>>, vector<128x128xf32>
    %dot_general3A_44 = arith.constant dense<0.000000e+00> : vector<1024x128xf32>
    %dot_general3A_45 = tpu.matmul %div3A_32, %get3A_43, %dot_general3A_44 {dimension_numbers = #tpu.dot_dimension_numbers<[1], [0], [0], [1], [0, 0, 1, 1], [], []>, transpose_lhs_hint = false} : vector<1024x128xf32>, vector<128x128xf32>, vector<1024x128xf32> -> vector<1024x128xf32>
    %add3A_46 = arith.addf %dot_general3A_40, %dot_general3A_45 : vector<1024x128xf32>
    %get3A_47 = arith.constant 0 : index
    %get3A_48 = arith.constant 0 : index
    %get3A_49 = vector.load %arg8[%get3A_47, %get3A_48] : memref<1x128xf32, #tpu.memory_space<vmem>>, vector<1x128xf32>
    %add3A_50 = vector.broadcast %get3A_49 : vector<1x128xf32> to vector<1024x128xf32>
    %add3A_51 = arith.addf %add3A_46, %add3A_50 : vector<1024x128xf32>
    %max3A_52 = arith.constant 0.000000e+00 : f32
    %max3A_53 = vector.broadcast %max3A_52 : f32 to vector<1024x128xf32>
    %max3A_54 = arith.maximumf %add3A_51, %max3A_53 : vector<1024x128xf32>
    %swap3A = arith.constant 0 : index
    %swap3A_55 = arith.constant 0 : index
    %swap3A_56 = vector.load %arg9[%swap3A, %swap3A_55] : memref<1024x128xf32, #tpu.memory_space<vmem>>, vector<1024x128xf32>
    tpu.vector_store %arg9[%swap3A, %swap3A_55], %max3A_54 {strides = array<i32>} : memref<1024x128xf32, #tpu.memory_space<vmem>>, vector<1024x128xf32>,
    return
  }
  func.func @transform_0(%arg0: i32) -> (i32, i32, i32) {
    %c0_i32 = arith.constant 0 : i32
    %c0_i32_0 = arith.constant 0 : i32
    %c0_i32_1 = arith.constant 0 : i32
    return %c0_i32, %arg0, %c0_i32_0 : i32, i32, i32
  }
  func.func @transform_1(%arg0: i32) -> (i32, i32, i32) {
    %c0_i32 = arith.constant 0 : i32
    %c0_i32_0 = arith.constant 0 : i32
    %c0_i32_1 = arith.constant 0 : i32
    return %c0_i32, %arg0, %c0_i32_0 : i32, i32, i32
  }
  func.func @transform_2(%arg0: i32) -> (i32, i32) {
    %c0_i32 = arith.constant 0 : i32
    %c0_i32_0 = arith.constant 0 : i32
    return %arg0, %c0_i32 : i32, i32
  }
  func.func @transform_3(%arg0: i32) -> (i32, i32) {
    %c0_i32 = arith.constant 0 : i32
    %c0_i32_0 = arith.constant 0 : i32
    %c0_i32_1 = arith.constant 0 : i32
    return %c0_i32, %c0_i32_0 : i32, i32
  }
  func.func @transform_4(%arg0: i32) -> (i32, i32) {
    %c0_i32 = arith.constant 0 : i32
    %c0_i32_0 = arith.constant 0 : i32
    %c0_i32_1 = arith.constant 0 : i32
    return %c0_i32, %c0_i32_0 : i32, i32
  }
  func.func @transform_5(%arg0: i32) -> (i32, i32) {
    %c0_i32 = arith.constant 0 : i32
    %c0_i32_0 = arith.constant 0 : i32
    %c0_i32_1 = arith.constant 0 : i32
    return %c0_i32, %c0_i32_0 : i32, i32
  }
  func.func @transform_6(%arg0: i32) -> (i32, i32) {
    %c0_i32 = arith.constant 0 : i32
    %c0_i32_0 = arith.constant 0 : i32
    %c0_i32_1 = arith.constant 0 : i32
    return %c0_i32, %c0_i32_0 : i32, i32
  }
  func.func @transform_7(%arg0: i32) -> (i32, i32) {
    %c0_i32 = arith.constant 0 : i32
    %c0_i32_0 = arith.constant 0 : i32
    %c0_i32_1 = arith.constant 0 : i32
    return %c0_i32, %c0_i32_0 : i32, i32
  }
  func.func @transform_8(%arg0: i32) -> (i32, i32) {
    %c0_i32 = arith.constant 0 : i32
    %c0_i32_0 = arith.constant 0 : i32
    return %arg0, %c0_i32 : i32, i32
  }
}

</mosaic_0001>

<sc_bundles>
// kernel: kernel.4.cloned.1.call-start
scs
__scs_entry_jumppad:
0x0: {  	(pc) =	sbr.rel $0x88, $3  }
0x1: {  	(tag) =	ssettag $0x0;
	lr =	simm.s32 $0x1  }
0x2: {  	[smem:$0x3F9A] =	sst lr;
	_ =	strace $0xD0000000  }
0x3: {  	_ = 	snop  }
0x4: {  	_ = 	snop  }
0x5: {  	_ = 	snop  }
0x6: {  	_ = 	snop  }
0x7: {  	_ = 	snop  }
__scs_overlays_trampoline_lowered:
0x8: {  	[smem:$0x3FA9] =	sst s0  }
0x9: {  	[smem:$0x3FAA] =	sst s1  }
0xa: {  	[smem:$0x3FAB] =	sst s2  }
0xb: {  	[smem:$0x3FAC] =	sst s3  }
0xc: {  	[smem:$0x3FAD] =	sst s4  }
0xd: {  	[smem:$0x3FAE] =	sst s5  }
0xe: {  	[smem:$0x3FAF] =	sst s6  }
0xf: {  	[smem:$0x3FB0] =	sst s7  }
0x10: {  	[smem:$0x3FB1] =	sst s8  }
0x11: {  	[smem:$0x3FB2] =	sst s9;
	s0 =	simm.s32 @!p0 $0x0  }
0x12: {  	s1 =	sld [smem:$0x3F98];
	s0 =	simm.s32 @p0 $0x1  }
0x13: {  	[smem:$0x3FB3] =	sst s0;
	s0 =	simm.s32 @!p1 $0x0  }
0x14: {  	s2 =	sld [smem:$0x3F97];
	s0 =	simm.s32 @p1 $0x1  }
0x15: {  	[smem:$0x3FB4] =	sst s0;
	s0 =	simm.s32 @!p2 $0x0  }
0x16: {  	s3 =	sld [smem:$0x3FDB];
	s0 =	simm.s32 @p2 $0x1  }
0x17: {  	s4 =	simm.s32 $0x1BF5;
	[smem:$0x3FB6] =	sst s0  }
0x18: {  	s0 =	sld [smem:$0x3F99];
	_ =	swait.ge [sflag:s4], $0x0  }
0x19: {  	s7 =	sld [smem:$0x3F9A]  }
0x1a: {  	s8 =	sadd.s32 $0xFFFFE003, lr  }
0x1b: {  	s9 =	sadd.s32 $0xFFFFFEF7, lr;
	s5 =	simm.s32 $0xFFFFFFFF;
	p2 =	slt.u32 s8, $0xFFFFF086  }
0x1c: {  	p1 =	slt.u32 s9, $0xF7A;
	s5 =	simm.s32 @!p2 $0x0  }
0x1d: {  	s5 =	simm.s32 @p1 $0x1;
	p0 =	seq.s32 s7, s2  }
0x1e: {  	s7 =	smul.u32 @!p0 $0xF7A, s2;
	p2 =	seq.s32 @!p0 s5, $0x0  }
0x1f: {  	s9 =	smul.u32 $0xF7A, s1;
	s8 =	simm.s32 @!p0 $0x1BF5;
	p2 =	por !p2, p0  }
0x20: {  	[sflag:s8] =	ssyncset.s32 @!p0 $0xFFFFF086;
	s6 =	sadd.s32 @!p0 s3, s7;
	s7 =	simm.s32 @!p0 $0x108  }
0x21: {  	s3 =	sadd.s32 s3, s9;
	s6 =	sadd.s32 @!p0 $0x88, s6;
	s7 =	simm.s32 @p2 $0x1082  }
0x22: {  	[simem:s7], [sflag:s8] =	dma.local @!p0 [hbm:s6], $0xF7A  }
0x23: {  	s9 =	sor.u32 $0xD0000000, s2;
	s6 =	simm.s32 $0x108;
	_ =	swait.ge @!p0 [sflag:s8], $0x0  }
0x24: {  	s3 =	sadd.s32 $0x88, s3;
	s6 =	simm.s32 @!p1 $0x1082;
	[sflag:s4] =	ssyncset.s32 $0xFFFFF086  }
0x25: {  	[simem:s6], [sflag:s4] =	dma.local [hbm:s3], $0xF7A  }
0x26: {  	[smem:$0x3F9A] =	sst s1;
	(tag) =	ssettag s2;
	_ =	strace s9  }
0x27: {  	s1 =	sld [smem:$0x3FAA]  }
0x28: {  	s2 =	sld [smem:$0x3FAB]  }
0x29: {  	s4 =	sld [smem:$0x3FAD]  }
0x2a: {  	p0 =	seq.s32 s5, $0x0;
	s5 =	sld [smem:$0x3FAE]  }
0x2b: {  	s6 =	sld [smem:$0x3FAF]  }
0x2c: {  	s7 =	sld [smem:$0x3FB0]  }
0x2d: {  	s3 =	simm.s32 $0x108;
	s8 =	sld [smem:$0x3FB1]  }
0x2e: {  	s3 =	simm.s32 @!p0 $0x1082;
	s9 =	sld [smem:$0x3FB2]  }
0x2f: {  	lr =	sadd.s32 s0, s3;
	s0 =	sld [smem:$0x3FA9]  }
0x30: {  	s3 =	sld [smem:$0x3FAC]  }
0x31: {  	[smem:$0x3FB5] =	sst s10  }
0x32: {  	s10 =	sld [smem:$0x3FB3];
	_ =	sdelay $0x3  }
0x33: {  	p0 =	seq.s32 s10, $0x1;
	s10 =	sld [smem:$0x3FB5];
	_ =	sdelay $0x3  }
0x34: {  	[smem:$0x3FB5] =	sst s10  }
0x35: {  	s10 =	sld [smem:$0x3FB4];
	_ =	sdelay $0x3  }
0x36: {  	p1 =	seq.s32 s10, $0x1;
	s10 =	sld [smem:$0x3FB5];
	_ =	sdelay $0x3  }
0x37: {  	[smem:$0x3FB5] =	sst s10  }
0x38: {  	s10 =	sld [smem:$0x3FB6]  }
0x39: {  	_ = 	snop;
	(pc) =	sbr.ind lr, $3  }
0x3a: {  	_ = 	snop  }
0x3b: {  	_ = 	snop  }
0x3c: {  	p2 =	seq.s32 s10, $0x1;
	s10 =	sld [smem:$0x3FB5]  }
0x3d: {  	_ =	shalt  }
0x3e: {  	_ =	shalt  }
0x3f: {  	_ =	shalt  }
0x40: {  	_ =	shalt  }
0x41: {  	_ =	shalt  }
0x42: {  	_ =	shalt  }
0x43: {  	_ =	shalt  }
0x44: {  	_ =	shalt  }
0x45: {  	_ =	shalt  }
0x46: {  	_ =	shalt  }
0x47: {  	_ =	shalt  }
0x48: {  	_ =	shalt  }
0x49: {  	_ =	shalt  }
0x4a: {  	_ =	shalt  }
0x4b: {  	_ =	shalt  }
0x4c: {  	_ =	shalt  }
0x4d: {  	_ =	shalt  }
0x4e: {  	_ =	shalt  }
0x4f: {  	_ =	shalt  }
0x50: {  	_ =	shalt  }
0x51: {  	_ =	shalt  }
0x52: {  	_ =	shalt  }
0x53: {  	_ =	shalt  }
0x54: {  	_ =	shalt  }
0x55: {  	_ =	shalt  }
0x56: {  	_ =	shalt  }
0x57: {  	_ =	shalt  }
0x58: {  	_ =	shalt  }
0x59: {  	_ =	shalt  }
0x5a: {  	_ =	shalt  }
0x5b: {  	_ =	shalt  }
0x5c: {  	_ =	shalt  }
0x5d: {  	_ =	shalt  }
0x5e: {  	_ =	shalt  }
0x5f: {  	_ =	shalt  }
0x60: {  	_ =	shalt  }
0x61: {  	_ =	shalt  }
0x62: {  	_ =	shalt  }
0x63: {  	_ =	shalt  }
0x64: {  	_ =	shalt  }
0x65: {  	_ =	shalt  }
0x66: {  	_ =	shalt  }
0x67: {  	_ =	shalt  }
0x68: {  	_ =	shalt  }
0x69: {  	_ =	shalt  }
0x6a: {  	_ =	shalt  }
0x6b: {  	_ =	shalt  }
0x6c: {  	_ =	shalt  }
0x6d: {  	_ =	shalt  }
0x6e: {  	_ =	shalt  }
0x6f: {  	_ =	shalt  }
0x70: {  	_ =	shalt  }
0x71: {  	_ =	shalt  }
0x72: {  	_ =	shalt  }
0x73: {  	_ =	shalt  }
0x74: {  	_ =	shalt  }
0x75: {  	_ =	shalt  }
0x76: {  	_ =	shalt  }
0x77: {  	_ =	shalt  }
0x78: {  	_ =	shalt  }
0x79: {  	_ =	shalt  }
0x7a: {  	_ =	shalt  }
0x7b: {  	_ =	shalt  }
0x7c: {  	_ =	shalt  }
0x7d: {  	_ =	shalt  }
0x7e: {  	_ =	shalt  }
0x7f: {  	_ =	shalt  }
0x80: {  	_ =	shalt  }
0x81: {  	_ =	shalt  }
0x82: {  	_ =	shalt  }
0x83: {  	_ =	shalt  }
0x84: {  	_ =	shalt  }
0x85: {  	_ =	shalt  }
0x86: {  	_ =	shalt  }
0x87: {  	_ =	shalt  }
.Lfunc_end0:
.L_simem_size_0:
called_computation_lowered:
.L_overlay_start_0:
0x88: {  	s2 =	sld [smem:$0x3FD9]  }
0x89: {  	s3 =	sld [smem:$0x3FFE];
	_ =	sdelay $0x1  }
0x8a: {  	s1 =	srdreg.scid  }
0x8b: {  	s0 =	sand.u32 $0x1, s1  }
0x8c: {  	s17 =	sshll.u32 s0, $0xA;
	s2 =	sadd.s32 s3, s2  }
0x8d: {  	s2 =	sadd.s32 s2, s17  }
0x8e: {  	[smem:$0x3FC1] =	sst s2  }
0x8f: {  	_ = 	snop  }
0x90: {  	s2 =	sld [smem:$0x3FC8]  }
0x91: {  	s18 =	sld [smem:$0x3FD0];
	(tm) =	ssettm $0x1  }
0x92: {  	s4 =	sld [smem:$0x3FFB];
	_ =	sdelay $0x3  }
0x93: {  	_ =	strace s4  }
0x94: {  	s4 =	sld [smem:$0x3FFC];
	_ =	sdelay $0x3  }
0x95: {  	_ =	strace s4  }
0x96: {  	s4 =	sld [smem:$0x3FFD];
	_ =	sdelay $0x3  }
0x97: {  	_ =	strace s4  }
0x98: {  	_ =	strace $0x8FFFFFFF  }
0x99: {  	s19 =	sld [smem:$0x3FDB];
	_ =	sdelay $0x1  }
0x9a: {  	s5 =	simm.s32 $_scs_section_size  }
0x9b: {  	s6 =	simm.s32 $_size__tile_overlayer_lowered;
	s7 =	simm.s32 $_tile_overlayer_lowered  }
0x9c: {  	s22 =	simm.s32 $0x1BFF;
	s21 =	sshll.u32 s7, $0x1;
	s4 =	sadd.s32 s5, s19  }
0x9d: {  	s8 =	simm.s32 $0x0;
	s20 =	sshll.u32 s6, $0x1;
	s6 =	sadd.s32 s21, s4  }
0x9e: {  	[timem:s8], [sflag:s22] =	dma.local [hbm:s6], s20  }
0x9f: {  	_ =	swait.ge [sflag:s22], s20  }
0xa0: {  	s5 =	ssub.s32 $0x0, s20;
	[sflag:s22] =	ssyncset.done $0x0  }
0xa1: {  	[sflag:s22] =	ssyncadd.s32 s5;
	_ =	sdelay $0x1  }
0xa2: {  	s23 =	simm.s32 $0x1B8B  }
0xa3: {  	_ =	swait.ge [sflag:s23], $0x1  }
0xa4: {  	[sflag:s23] =	ssyncset.done $0x0  }
0xa5: {  	s25 =	simm.s32 $0x1B8E;
	s24 =	sld [smem:$0x3FFE];
	[sflag:s23] =	ssyncadd.s32 $0xFFFFFFFF  }
0xa6: {  	s26 =	simm.s32 $execute0_lowered;
	[smem:$0x3FD2] =	sst s25  }
0xa7: {  	s6 =	sshll.u32 s26, $0x1;
	_ =	strace $0x80000046;
	[dreg:$0x1] =	wrdreg $0xFFFFFFFF  }
0xa8: {  	s28 =	simm.s32 $_size_execute0_lowered;
	s4 =	sadd.s32 s4, s6;
	[dreg:$0x0] =	wrdreg $0x0  }
0xa9: {  	s6 =	sshll.u32 s28, $0x1;
	[dreg:$0x2] =	wrdreg s4  }
0xaa: {  	[dreg:$0x3] =	wrdreg s6  }
0xab: {  	[dreg:$0x4] =	wrdreg $0xC0  }
0xac: {  	_ =	task [dreg:s8], $0x5FFFF  }
0xad: {  	[dreg:$0x1] =	wrdreg $0xFFFFFFFF  }
0xae: {  	[dreg:$0x0] =	wrdreg $0x60  }
0xaf: {  	[dreg:$0x2] =	wrdreg s2  }
0xb0: {  	[dreg:$0x3] =	wrdreg s18  }
0xb1: {  	[dreg:$0x4] =	wrdreg s24  }
0xb2: {  	[dreg:$0x5] =	wrdreg $0x41000  }
0xb3: {  	[dreg:$0x6] =	wrdreg $0x9  }
0xb4: {  	_ =	task.clear_ibuf [dreg:s8], $0x7FFFF;
	_ =	strace $0x90000046  }
0xb5: {  	s29 =	simm.s32 $0x9;
	_ =	strace $0x80000048  }
0xb6: {  	_ =	swait.ge [sflag:s29], $0x1  }
0xb7: {  	[sflag:s29] =	ssyncadd.s32 $0xFFFFFFFF  }
0xb8: {  	_ =	strace $0x90000048  }
0xb9: {  	_ =	sfence  }
0xba: {  	s30 =	sld [smem:$0x0];
	_ =	sdelay $0x2  }
0xbb: {  	s31 =	sshll.u32 s1, $0xD;
	s1 =	sshrl.u32 s1, $0x2  }
0xbc: {  	s3 =	sand.u32 $0x4000, s31;
	s1 =	sadd.s32 s1, s30  }
0xbd: {  	s0 =	sor.u32 s3, s0;
	s1 =	sshll.u32 s1, $0x11  }
0xbe: {  	s0 =	sor.u32 s1, s0  }
0xbf: {  	s0 =	sadd.s32 $0x8F2B, s0  }
0xc0: {  	[sflag:s0] =	ssyncadd.remote.s32 $0x1  }
0xc1: {  	_ =	sfence.sel $0xFFFF  }
0xc2: {  	[dreg:$0x0] =	wrdreg $0xFFFFFFFF;
	(pc) =	sbr.abs _section_cstart, $3  }
0xc3: {  	[dreg:$0x1] =	wrdreg $0xFFFFFFFF  }
0xc4: {  	_ =	task.clear_ibuf [dreg:s8], $0x2FFFF;
	_ =	strace $0x9FFFFFFF  }
0xc5: {  	(tm) =	ssettm $0x7FFFFFFF  }
tec
execute0_lowered:
.L_overlay_start_1:
0x0: {  	(tag) =	ssettag $0x1  }
0x1: {  	s1 =	rddreg [dreg:$0x0]  }
0x2: {  	s0 =	srdreg.scid;
	s10 =	stileid.u32  }
0x3: {  	s2 =	rddreg [dreg:$0x1];
	s7 =	smul.u32 $0x2780, s10  }
0x4: {  	s6 =	rddreg [dreg:$0x2];
	s20 =	smul.u32 $0x288, s10  }
0x5: {  	s3 =	rddreg [dreg:$0x3];
	s4 =	simm.s32 $0x0;
	s8 =	smul.u32 $0x51000, s10  }
0x6: {  	s28 =	simm.s32 $0x80;
	s0 =	sand.u32 $0x1, s0;
	s31 =	smul.u32 $0x27800, s10  }
0x7: {  	s29 =	simm.s32 $0x1;
	s30 =	simm.s32 $0x0;
	s5 =	smul.u32 $0x27800, s0  }
0x8: {  	[smem:$0x7FF] =	sst s4;
	s14 =	sadd.s32 $0x4F8A00, s6;
	s19 =	smul.u32 $0x278000, s0  }
0x9: {  	_ =	strace $0x80000047;
	s9 =	ssub.s32 $0x2, s0;
	s0 =	smul.u32 $0x2880, s0  }
0xa: {  	s22 =	sshrl.u32 s9, $0x1;
	s8 =	sshrl.u32 s8, $0x2;
	s5 =	sadd.s32 s7, s5  }
0xb: {  	s24 =	sadd.s32 s19, s6;
	s19 =	sadd.s32 $0x549A00, s6;
	s9 =	ssub.s32 s9, s22  }
0xc: {  	s0 =	sadd.s32 s20, s0;
	s21 =	sshrl.u32 s5, $0x3;
	s5 =	sadd.s32 $0x4F8200, s6  }
0xd: {  	s25 =	smax.u32 s9, $0x1;
	s0 =	sshll.u32 s0, $0x4;
	s23 =	sadd.s32 s21, s6  }
0xe: {  	s6 =	sadd.s32 s8, s3;
	[dreg:$0x5] =	wrdreg s25;
	s26 =	sadd.s32 s14, s0  }
0xf: {  	s16 =	sadd.s32 $0x800, s0;
	s17 =	sadd.s32 $0x1000, s0;
	s18 =	sadd.s32 $0x1800, s0  }
0x10: {  	s20 =	sadd.s32 $0x2000, s0;
	s15 =	sadd.s32 s19, s0;
	s21 =	sadd.s32 s21, s2  }
0x11: {  	s0 =	sadd.s32 s31, s24;
	s25 =	simm.s32 $0x100;
	s8 =	sadd.s32 $0x4000, s6  }
0x12: {  	s9 =	sadd.s32 $0x8000, s6;
	[dreg:$0x6] =	wrdreg s26;
	s11 =	sadd.s32 s14, s16  }
0x13: {  	s12 =	sadd.s32 s14, s17;
	s13 =	sadd.s32 s14, s18;
	s14 =	sadd.s32 s14, s20  }
0x14: {  	s16 =	sadd.s32 s19, s16;
	s17 =	sadd.s32 s19, s17;
	s18 =	sadd.s32 s19, s18  }
0x15: {  	s19 =	sadd.s32 s19, s20;
	s20 =	sadd.s32 $0xC000, s6;
	s22 =	sadd.s32 $0x10000, s6  }
0x16: {  	s23 =	sadd.s32 $0x4EE400, s23;
	s24 =	sadd.s32 $0x9D0400, s0;
	s26 =	simm.s32 $0x2  }
.LBB2_1:
0x17: {  	[tilespmem:s25], [sflag:$0x2] =	stream.linear.gather [hbm4b:s5+s4], $0x4000, $0x38;
	[tilespmem:$0x18500] =	vst v63  }
0x18: {  	_ =	swait.ge [sflag:s26], $0x4000  }
0x19: {  	[sflag:s26] =	ssyncset.done $0x0  }
0x1a: {  	[sflag:s26] =	ssyncadd.s32 $0xFFFFC000  }
0x1b: {  	[spmem:s6] =	stream.linear.scatter [tilespmem:s25], [sflag:$0x2], $0x4000, $0x38;
	[tilespmem:$0x18500] =	vst v63  }
0x1c: {  	_ =	swait.ge [sflag:s26], $0x4000  }
0x1d: {  	[sflag:s26] =	ssyncset.done $0x0  }
0x1e: {  	[sflag:s26] =	ssyncadd.s32 $0xFFFFC000  }
0x1f: {  	[spmem:s8] =	stream.linear.scatter [tilespmem:s25], [sflag:$0x2], $0x4000, $0x38;
	[tilespmem:$0x18500] =	vst v63  }
0x20: {  	_ =	swait.ge [sflag:s26], $0x4000  }
0x21: {  	[sflag:s26] =	ssyncset.done $0x0  }
0x22: {  	[sflag:s26] =	ssyncadd.s32 $0xFFFFC000  }
0x23: {  	[spmem:s9] =	stream.linear.scatter [tilespmem:s25], [sflag:$0x2], $0x4000, $0x38;
	[tilespmem:$0x18500] =	vst v63  }
0x24: {  	_ =	swait.ge [sflag:s26], $0x4000  }
0x25: {  	[sflag:s26] =	ssyncset.done $0x0  }
0x26: {  	[sflag:s26] =	ssyncadd.s32 $0xFFFFC000  }
0x27: {  	[spmem:s20] =	stream.linear.scatter [tilespmem:s25], [sflag:$0x2], $0x4000, $0x38;
	[tilespmem:$0x18500] =	vst v63  }
0x28: {  	_ =	swait.ge [sflag:s26], $0x4000  }
0x29: {  	[sflag:s26] =	ssyncset.done $0x0  }
0x2a: {  	[sflag:s26] =	ssyncadd.s32 $0xFFFFC000  }
0x2b: {  	[spmem:s22] =	stream.linear.scatter [tilespmem:s25], [sflag:$0x2], $0x4000, $0x38;
	[tilespmem:$0x18500] =	vst v63  }
0x2c: {  	_ =	swait.ge [sflag:s26], $0x4000  }
0x2d: {  	[sflag:s26] =	ssyncset.done $0x0  }
0x2e: {  	[sflag:s26] =	ssyncadd.s32 $0xFFFFC000  }
0x2f: {  	s0 =	sadd.s32 $0x0, s21;
	[bflag:$0x0] =	sbarrier.arrive $0xFFFF  }
0x30: {  	[tilespmem:s4], [sflag:$0x2] =	stream.linear.gather [hbm4b:s0+s4], $0x80, $0x38;
	[tilespmem:$0x18500] =	vst v63  }
0x31: {  	_ =	swait.ge [sflag:s26], $0x80  }
0x32: {  	[sflag:s26] =	ssyncset.done $0x0  }
0x33: {  	s10 =	sadd.s32 $0x0, s23;
	[sflag:s26] =	ssyncadd.s32 $0xFFFFFF80  }
0x34: {  	[tilespmem:s28], [sflag:$0x2] =	stream.linear.gather [hbm4b:s10+s4], $0x80, $0x38;
	[tilespmem:$0x18500] =	vst v63  }
0x35: {  	_ =	swait.ge [sflag:s26], $0x80  }
0x36: {  	[sflag:s26] =	ssyncset.done $0x0  }
0x37: {  	[sflag:s26] =	ssyncadd.s32 $0xFFFFFF80  }
0x38: {  	[tilespmem:s25], [sflag:$0x1] =	stream.indirect.gather [hbm4b:s1+s28], $0x80, s4, s28, $0xb8;
	[tilespmem:$0x18500] =	vst v63  }
0x39: {  	_ =	swait.ge [sflag:s29], $0x4000  }
0x3a: {  	[sflag:s29] =	ssyncset.done $0x0  }
0x3b: {  	[sflag:s29] =	ssyncadd.s32 $0xFFFFC000  }
0x3c: {  	[spmem:s3] =	stream.indirect.scatter.add.f32 [tilespmem:s25], [sflag:$0x2], $0x80, s28, s28, $0xb8;
	[tilespmem:$0x18500] =	vst v63  }
0x3d: {  	_ =	swait.ge [sflag:s26], $0x4000  }
0x3e: {  	s31 =	simm.s32 $0x10;
	s0 =	simm.s32 $0x20;
	[sflag:s26] =	ssyncset.done $0x0  }
.LBB2_2:
0x3f: {  	s2 =	sadd.s32 s31, s21  }
0x40: {  	[sflag:s26] =	ssyncadd.s32 $0xFFFFC000;
	s7 =	smov.u32 s0;
	s10 =	sadd.s32 $0x10, s0  }
0x41: {  	[tilespmem:s4], [sflag:$0x2] =	stream.linear.gather [hbm4b:s2+s4], $0x80, $0x38;
	[tilespmem:$0x18500] =	vst v63  }
0x42: {  	p0 =	sne.s32 s0, $0x4E0;
	_ =	swait.ge [sflag:s26], $0x80  }
0x43: {  	[sflag:s26] =	ssyncset.done $0x0  }
0x44: {  	s0 =	sadd.s32 s31, s23;
	s31 =	smov.u32 s7;
	[sflag:s26] =	ssyncadd.s32 $0xFFFFFF80  }
0x45: {  	[tilespmem:s28], [sflag:$0x2] =	stream.linear.gather [hbm4b:s0+s4], $0x80, $0x38;
	[tilespmem:$0x18500] =	vst v63  }
0x46: {  	_ =	swait.ge [sflag:s26], $0x80  }
0x47: {  	[sflag:s26] =	ssyncset.done $0x0  }
0x48: {  	[sflag:s26] =	ssyncadd.s32 $0xFFFFFF80  }
0x49: {  	[tilespmem:s25], [sflag:$0x1] =	stream.indirect.gather [hbm4b:s1+s28], $0x80, s4, s28, $0xb8;
	[tilespmem:$0x18500] =	vst v63  }
0x4a: {  	_ =	swait.ge [sflag:s29], $0x4000  }
.Ltmp0:
0x4b: {  	[sflag:s29] =	ssyncset.done $0x0;
	(pc) =	sbr.rel @p0 .LBB2_2-.Ltmp0, $4  }
0x4c: {  	[sflag:s29] =	ssyncadd.s32 $0xFFFFC000  }
0x4d: {  	[spmem:s3] =	stream.indirect.scatter.add.f32 [tilespmem:s25], [sflag:$0x2], $0x80, s28, s28, $0xb8;
	[tilespmem:$0x18500] =	vst v63  }
0x4e: {  	_ =	swait.ge [sflag:s26], $0x4000  }
0x4f: {  	s0 =	smov.u32 s10;
	[sflag:s26] =	ssyncset.done $0x0  }
0x50: {  	s0 =	sadd.s32 s31, s21;
	[sflag:s26] =	ssyncadd.s32 $0xFFFFC000  }
0x51: {  	[tilespmem:s4], [sflag:$0x2] =	stream.linear.gather [hbm4b:s0+s4], $0x80, $0x38;
	[tilespmem:$0x18500] =	vst v63  }
0x52: {  	_ =	swait.ge [sflag:s26], $0x80  }
0x53: {  	[sflag:s26] =	ssyncset.done $0x0  }
0x54: {  	s2 =	sadd.s32 s31, s23;
	[sflag:s26] =	ssyncadd.s32 $0xFFFFFF80  }
0x55: {  	[tilespmem:s28], [sflag:$0x2] =	stream.linear.gather [hbm4b:s2+s4], $0x80, $0x38;
	[tilespmem:$0x18500] =	vst v63  }
0x56: {  	_ =	swait.ge [sflag:s26], $0x80  }
0x57: {  	[sflag:s26] =	ssyncset.done $0x0  }
0x58: {  	[sflag:s26] =	ssyncadd.s32 $0xFFFFFF80  }
0x59: {  	[tilespmem:s25], [sflag:$0x1] =	stream.indirect.gather [hbm4b:s1+s28], $0x80, s4, s28, $0xb8;
	[tilespmem:$0x18500] =	vst v63  }
0x5a: {  	_ =	swait.ge [sflag:s29], $0x4000  }
0x5b: {  	[sflag:s29] =	ssyncset.done $0x0  }
0x5c: {  	[sflag:s29] =	ssyncadd.s32 $0xFFFFC000  }
0x5d: {  	[spmem:s3] =	stream.indirect.scatter.add.f32 [tilespmem:s25], [sflag:$0x2], $0x80, s28, s28, $0xb8;
	[tilespmem:$0x18500] =	vst v63  }
0x5e: {  	_ =	swait.ge [sflag:s26], $0x4000  }
0x5f: {  	[sflag:s26] =	ssyncset.done $0x0  }
0x60: {  	[sflag:s26] =	ssyncadd.s32 $0xFFFFC000  }
0x61: {  	[bflag:$0x0] =	sbarrier.arrive $0xFFFF  }
0x62: {  	[tilespmem:s25], [sflag:$0x2] =	stream.linear.gather [spmem:s6], $0x4000, $0x38;
	[tilespmem:$0x18500] =	vst v63  }
0x63: {  	_ =	swait.ge [sflag:s26], $0x4000  }
0x64: {  	[sflag:s26] =	ssyncset.done $0x0  }
0x65: {  	s7 =	simm.s32 $0x0;
	s2 =	rddreg [dreg:$0x6];
	[sflag:s26] =	ssyncadd.s32 $0xFFFFC000  }
0x66: {  	[hbm4b:s2+s7] =	stream.linear.scatter [tilespmem:s25], [sflag:$0x2], $0x4000, $0x38;
	[tilespmem:$0x18500] =	vst v63  }
0x67: {  	_ =	swait.ge [sflag:s26], $0x4000  }
0x68: {  	[sflag:s26] =	ssyncset.done $0x0  }
0x69: {  	[sflag:s26] =	ssyncadd.s32 $0xFFFFC000  }
0x6a: {  	[tilespmem:s25], [sflag:$0x2] =	stream.linear.gather [spmem:s8], $0x4000, $0x38;
	[tilespmem:$0x18500] =	vst v63  }
0x6b: {  	_ =	swait.ge [sflag:s26], $0x4000  }
0x6c: {  	[sflag:s26] =	ssyncset.done $0x0  }
0x6d: {  	[sflag:s26] =	ssyncadd.s32 $0xFFFFC000  }
0x6e: {  	[hbm4b:s11+s7] =	stream.linear.scatter [tilespmem:s25], [sflag:$0x2], $0x4000, $0x38;
	[tilespmem:$0x18500] =	vst v63  }
0x6f: {  	_ =	swait.ge [sflag:s26], $0x4000  }
0x70: {  	[sflag:s26] =	ssyncset.done $0x0  }
0x71: {  	[sflag:s26] =	ssyncadd.s32 $0xFFFFC000  }
0x72: {  	[tilespmem:s25], [sflag:$0x2] =	stream.linear.gather [spmem:s9], $0x4000, $0x38;
	[tilespmem:$0x18500] =	vst v63  }
0x73: {  	_ =	swait.ge [sflag:s26], $0x4000  }
0x74: {  	[sflag:s26] =	ssyncset.done $0x0  }
0x75: {  	[sflag:s26] =	ssyncadd.s32 $0xFFFFC000  }
0x76: {  	[hbm4b:s12+s7] =	stream.linear.scatter [tilespmem:s25], [sflag:$0x2], $0x4000, $0x38;
	[tilespmem:$0x18500] =	vst v63  }
0x77: {  	_ =	swait.ge [sflag:s26], $0x4000  }
0x78: {  	[sflag:s26] =	ssyncset.done $0x0  }
0x79: {  	[sflag:s26] =	ssyncadd.s32 $0xFFFFC000  }
0x7a: {  	[tilespmem:s25], [sflag:$0x2] =	stream.linear.gather [spmem:s20], $0x4000, $0x38;
	[tilespmem:$0x18500] =	vst v63  }
0x7b: {  	_ =	swait.ge [sflag:s26], $0x4000  }
0x7c: {  	[sflag:s26] =	ssyncset.done $0x0  }
0x7d: {  	[sflag:s26] =	ssyncadd.s32 $0xFFFFC000  }
0x7e: {  	[hbm4b:s13+s7] =	stream.linear.scatter [tilespmem:s25], [sflag:$0x2], $0x4000, $0x38;
	[tilespmem:$0x18500] =	vst v63  }
0x7f: {  	_ =	swait.ge [sflag:s26], $0x4000  }
0x80: {  	[sflag:s26] =	ssyncset.done $0x0  }
0x81: {  	[sflag:s26] =	ssyncadd.s32 $0xFFFFC000  }
0x82: {  	[tilespmem:s25], [sflag:$0x2] =	stream.linear.gather [spmem:s22], $0x4000, $0x38;
	[tilespmem:$0x18500] =	vst v63  }
0x83: {  	_ =	swait.ge [sflag:s26], $0x4000  }
0x84: {  	[sflag:s26] =	ssyncset.done $0x0  }
0x85: {  	[sflag:s26] =	ssyncadd.s32 $0xFFFFC000  }
0x86: {  	[hbm4b:s14+s7] =	stream.linear.scatter [tilespmem:s25], [sflag:$0x2], $0x4000, $0x38;
	[tilespmem:$0x18500] =	vst v63  }
0x87: {  	_ =	swait.ge [sflag:s26], $0x4000  }
0x88: {  	[sflag:s26] =	ssyncset.done $0x0  }
0x89: {  	[sflag:s26] =	ssyncadd.s32 $0xFFFFC000  }
0x8a: {  	[bflag:$0x0] =	sbarrier.arrive $0xFFFF  }
0x8b: {  	[tilespmem:s25], [sflag:$0x2] =	stream.linear.gather [hbm4b:s5+s7], $0x4000, $0x38;
	[tilespmem:$0x18500] =	vst v63  }
0x8c: {  	_ =	swait.ge [sflag:s26], $0x4000  }
0x8d: {  	[sflag:s26] =	ssyncset.done $0x0  }
0x8e: {  	[sflag:s26] =	ssyncadd.s32 $0xFFFFC000  }
0x8f: {  	[spmem:s6] =	stream.linear.scatter [tilespmem:s25], [sflag:$0x2], $0x4000, $0x38;
	[tilespmem:$0x18500] =	vst v63  }
0x90: {  	_ =	swait.ge [sflag:s26], $0x4000  }
0x91: {  	[sflag:s26] =	ssyncset.done $0x0  }
0x92: {  	[sflag:s26] =	ssyncadd.s32 $0xFFFFC000  }
0x93: {  	[spmem:s8] =	stream.linear.scatter [tilespmem:s25], [sflag:$0x2], $0x4000, $0x38;
	[tilespmem:$0x18500] =	vst v63  }
0x94: {  	_ =	swait.ge [sflag:s26], $0x4000  }
0x95: {  	[sflag:s26] =	ssyncset.done $0x0  }
0x96: {  	[sflag:s26] =	ssyncadd.s32 $0xFFFFC000  }
0x97: {  	[spmem:s9] =	stream.linear.scatter [tilespmem:s25], [sflag:$0x2], $0x4000, $0x38;
	[tilespmem:$0x18500] =	vst v63  }
0x98: {  	_ =	swait.ge [sflag:s26], $0x4000  }
0x99: {  	[sflag:s26] =	ssyncset.done $0x0  }
0x9a: {  	[sflag:s26] =	ssyncadd.s32 $0xFFFFC000  }
0x9b: {  	[spmem:s20] =	stream.linear.scatter [tilespmem:s25], [sflag:$0x2], $0x4000, $0x38;
	[tilespmem:$0x18500] =	vst v63  }
0x9c: {  	_ =	swait.ge [sflag:s26], $0x4000  }
0x9d: {  	[sflag:s26] =	ssyncset.done $0x0  }
0x9e: {  	[sflag:s26] =	ssyncadd.s32 $0xFFFFC000  }
0x9f: {  	[spmem:s22] =	stream.linear.scatter [tilespmem:s25], [sflag:$0x2], $0x4000, $0x38;
	[tilespmem:$0x18500] =	vst v63  }
0xa0: {  	_ =	swait.ge [sflag:s26], $0x4000  }
0xa1: {  	[sflag:s26] =	ssyncset.done $0x0  }
0xa2: {  	[sflag:s26] =	ssyncadd.s32 $0xFFFFC000  }
0xa3: {  	s10 =	sadd.s32 $0x0, s23;
	[bflag:$0x0] =	sbarrier.arrive $0xFFFF  }
0xa4: {  	[tilespmem:s28], [sflag:$0x2] =	stream.linear.gather [hbm4b:s10+s4], $0x80, $0x38;
	[tilespmem:$0x18500] =	vst v63  }
0xa5: {  	_ =	swait.ge [sflag:s26], $0x80  }
0xa6: {  	[sflag:s26] =	ssyncset.done $0x0  }
0xa7: {  	[sflag:s26] =	ssyncadd.s32 $0xFFFFFF80  }
0xa8: {  	[tilespmem:s25], [sflag:$0x2] =	stream.linear.gather [hbm4b:s24+s4], $0x4000, $0x38;
	[tilespmem:$0x18500] =	vst v63  }
0xa9: {  	_ =	swait.ge [sflag:s26], $0x4000  }
0xaa: {  	[sflag:s26] =	ssyncset.done $0x0  }
0xab: {  	[sflag:s26] =	ssyncadd.s32 $0xFFFFC000  }
0xac: {  	[spmem:s3] =	stream.indirect.scatter.add.f32 [tilespmem:s25], [sflag:$0x2], $0x80, s28, s28, $0xb8;
	[tilespmem:$0x18500] =	vst v63  }
0xad: {  	s31 =	sadd.s32 $0x800, s24;
	_ =	swait.ge [sflag:s26], $0x4000  }
0xae: {  	s0 =	simm.s32 $0x20;
	s2 =	simm.s32 $0x10;
	[sflag:s26] =	ssyncset.done $0x0  }
.LBB2_4:
0xaf: {  	s7 =	sadd.s32 s2, s23  }
0xb0: {  	[sflag:s26] =	ssyncadd.s32 $0xFFFFC000;
	s2 =	smov.u32 s0;
	s10 =	sadd.s32 $0x10, s0  }
0xb1: {  	[tilespmem:s28], [sflag:$0x2] =	stream.linear.gather [hbm4b:s7+s4], $0x80, $0x38;
	[tilespmem:$0x18500] =	vst v63  }
0xb2: {  	p0 =	sne.s32 s0, $0x4E0;
	_ =	swait.ge [sflag:s26], $0x80  }
0xb3: {  	[sflag:s26] =	ssyncset.done $0x0  }
0xb4: {  	[sflag:s26] =	ssyncadd.s32 $0xFFFFFF80  }
0xb5: {  	[tilespmem:s25], [sflag:$0x2] =	stream.linear.gather [hbm4b:s31+s4], $0x4000, $0x38;
	[tilespmem:$0x18500] =	vst v63  }
0xb6: {  	_ =	swait.ge [sflag:s26], $0x4000  }
.Ltmp1:
0xb7: {  	[sflag:s26] =	ssyncset.done $0x0;
	(pc) =	sbr.rel @p0 .LBB2_4-.Ltmp1, $4  }
0xb8: {  	[sflag:s26] =	ssyncadd.s32 $0xFFFFC000  }
0xb9: {  	[spmem:s3] =	stream.indirect.scatter.add.f32 [tilespmem:s25], [sflag:$0x2], $0x80, s28, s28, $0xb8;
	[tilespmem:$0x18500] =	vst v63  }
0xba: {  	_ =	swait.ge [sflag:s26], $0x4000  }
0xbb: {  	s0 =	smov.u32 s10;
	s31 =	sadd.s32 $0x800, s31;
	[sflag:s26] =	ssyncset.done $0x0  }
0xbc: {  	s0 =	sadd.s32 s2, s23;
	[sflag:s26] =	ssyncadd.s32 $0xFFFFC000  }
0xbd: {  	[tilespmem:s28], [sflag:$0x2] =	stream.linear.gather [hbm4b:s0+s4], $0x80, $0x38;
	[tilespmem:$0x18500] =	vst v63  }
0xbe: {  	_ =	swait.ge [sflag:s26], $0x80  }
0xbf: {  	[sflag:s26] =	ssyncset.done $0x0  }
0xc0: {  	[sflag:s26] =	ssyncadd.s32 $0xFFFFFF80  }
0xc1: {  	[tilespmem:s25], [sflag:$0x2] =	stream.linear.gather [hbm4b:s31+s4], $0x4000, $0x38;
	[tilespmem:$0x18500] =	vst v63  }
0xc2: {  	_ =	swait.ge [sflag:s26], $0x4000  }
0xc3: {  	[sflag:s26] =	ssyncset.done $0x0  }
0xc4: {  	[sflag:s26] =	ssyncadd.s32 $0xFFFFC000  }
0xc5: {  	[spmem:s3] =	stream.indirect.scatter.add.f32 [tilespmem:s25], [sflag:$0x2], $0x80, s28, s28, $0xb8;
	[tilespmem:$0x18500] =	vst v63  }
0xc6: {  	_ =	swait.ge [sflag:s26], $0x4000  }
0xc7: {  	[sflag:s26] =	ssyncset.done $0x0  }
0xc8: {  	[sflag:s26] =	ssyncadd.s32 $0xFFFFC000  }
0xc9: {  	[bflag:$0x0] =	sbarrier.arrive $0xFFFF  }
0xca: {  	[tilespmem:s25], [sflag:$0x2] =	stream.linear.gather [spmem:s6], $0x4000, $0x38;
	[tilespmem:$0x18500] =	vst v63  }
0xcb: {  	_ =	swait.ge [sflag:s26], $0x4000  }
0xcc: {  	[sflag:s26] =	ssyncset.done $0x0  }
0xcd: {  	[sflag:s26] =	ssyncadd.s32 $0xFFFFC000  }
0xce: {  	[hbm4b:s15+s4] =	stream.linear.scatter [tilespmem:s25], [sflag:$0x2], $0x4000, $0x38;
	[tilespmem:$0x18500] =	vst v63  }
0xcf: {  	_ =	swait.ge [sflag:s26], $0x4000  }
0xd0: {  	[sflag:s26] =	ssyncset.done $0x0  }
0xd1: {  	[sflag:s26] =	ssyncadd.s32 $0xFFFFC000  }
0xd2: {  	[tilespmem:s25], [sflag:$0x2] =	stream.linear.gather [spmem:s8], $0x4000, $0x38;
	[tilespmem:$0x18500] =	vst v63  }
0xd3: {  	_ =	swait.ge [sflag:s26], $0x4000  }
0xd4: {  	[sflag:s26] =	ssyncset.done $0x0  }
0xd5: {  	[sflag:s26] =	ssyncadd.s32 $0xFFFFC000  }
0xd6: {  	[hbm4b:s16+s4] =	stream.linear.scatter [tilespmem:s25], [sflag:$0x2], $0x4000, $0x38;
	[tilespmem:$0x18500] =	vst v63  }
0xd7: {  	_ =	swait.ge [sflag:s26], $0x4000  }
0xd8: {  	[sflag:s26] =	ssyncset.done $0x0  }
0xd9: {  	[sflag:s26] =	ssyncadd.s32 $0xFFFFC000  }
0xda: {  	[tilespmem:s25], [sflag:$0x2] =	stream.linear.gather [spmem:s9], $0x4000, $0x38;
	[tilespmem:$0x18500] =	vst v63  }
0xdb: {  	_ =	swait.ge [sflag:s26], $0x4000  }
0xdc: {  	[sflag:s26] =	ssyncset.done $0x0  }
0xdd: {  	[sflag:s26] =	ssyncadd.s32 $0xFFFFC000  }
0xde: {  	[hbm4b:s17+s4] =	stream.linear.scatter [tilespmem:s25], [sflag:$0x2], $0x4000, $0x38;
	[tilespmem:$0x18500] =	vst v63  }
0xdf: {  	_ =	swait.ge [sflag:s26], $0x4000  }
0xe0: {  	[sflag:s26] =	ssyncset.done $0x0  }
0xe1: {  	[sflag:s26] =	ssyncadd.s32 $0xFFFFC000  }
0xe2: {  	[tilespmem:s25], [sflag:$0x2] =	stream.linear.gather [spmem:s20], $0x4000, $0x38;
	[tilespmem:$0x18500] =	vst v63  }
0xe3: {  	_ =	swait.ge [sflag:s26], $0x4000  }
0xe4: {  	[sflag:s26] =	ssyncset.done $0x0  }
0xe5: {  	[sflag:s26] =	ssyncadd.s32 $0xFFFFC000  }
0xe6: {  	[hbm4b:s18+s4] =	stream.linear.scatter [tilespmem:s25], [sflag:$0x2], $0x4000, $0x38;
	[tilespmem:$0x18500] =	vst v63  }
0xe7: {  	_ =	swait.ge [sflag:s26], $0x4000  }
0xe8: {  	[sflag:s26] =	ssyncset.done $0x0  }
0xe9: {  	[sflag:s26] =	ssyncadd.s32 $0xFFFFC000  }
0xea: {  	[tilespmem:s25], [sflag:$0x2] =	stream.linear.gather [spmem:s22], $0x4000, $0x38;
	[tilespmem:$0x18500] =	vst v63  }
0xeb: {  	_ =	swait.ge [sflag:s26], $0x4000  }
0xec: {  	[sflag:s26] =	ssyncset.done $0x0  }
0xed: {  	[sflag:s26] =	ssyncadd.s32 $0xFFFFC000  }
0xee: {  	[hbm4b:s19+s4] =	stream.linear.scatter [tilespmem:s25], [sflag:$0x2], $0x4000, $0x38;
	[tilespmem:$0x18500] =	vst v63  }
0xef: {  	_ =	swait.ge [sflag:s26], $0x4000  }
0xf0: {  	s30 =	sadd.s32 $0x1, s30;
	s31 =	rddreg [dreg:$0x5]  }
0xf1: {  	p0 =	sne.s32 s30, s31  }
.Ltmp2:
0xf2: {  	_ = 	snop;
	(pc) =	sbr.rel @p0 .LBB2_1-.Ltmp2, $3  }
0xf3: {  	_ =	sdelay $0x1  }
0xf4: {  	[sflag:s26] =	ssyncset.done $0x0  }
0xf5: {  	[sflag:s26] =	ssyncadd.s32 $0xFFFFC000  }
0xf6: {  	_ =	sfence.sel $0x180000  }
0xf7: {  	[bflag:$0x0] =	sbarrier.arrive $0xFFFF  }
0xf8: {  	_ =	strace $0x90000047  }
0xf9: {  	s0 =	stileid.u32;
	[bflag:$0x2] =	sbarrier.arrive $0xFFFF  }
0xfa: {  	p0 =	sne.s32 s0, $0x0;
	s0 =	rddreg [dreg:$0x4]  }
0xfb: {  	s0 =	sadd.s32 @!p0 $0x100000, s0  }
0xfc: {  	[sflag:s0] =	ssyncadd.tile.s32 @!p0 $0x1;
	_ =	shalt  }
.Lfunc_end2:
_tile_overlayer_lowered:
.L_overlay_start_2:
0xfd: {  	(tag) =	ssettag $0x2  }
0xfe: {  	s0 =	rddreg [dreg:$0x0];
	s2 =	stileid.u32  }
0xff: {  	s1 =	rddreg [dreg:$0x1];
	p0 =	sne.s32 s2, $0x0  }
0x100: {  	s3 =	rddreg [dreg:$0x2];
	[bflag:$0x3] =	sbarrier.arrive $0xFFFF;
	s2 =	simm.s32 @!p0 $0x1C02  }
0x101: {  	[timem:s3], [sflag:s2] =	dma.local @!p0 [hbm:s0], s1  }
0x102: {  	s0 =	simm.s32 @!p0 $0x2  }
0x103: {  	_ =	swait.ge @!p0 [sflag:s0], s1  }
0x104: {  	s1 =	ssub.s32 @!p0 $0x0, s1;
	[sflag:s0] =	ssyncset.done @!p0 $0x0  }
0x105: {  	[sflag:s0] =	ssyncadd.s32 @!p0 s1  }
0x106: {  	[bflag:$0x3] =	sbarrier.arrive $0xFFFF  }
0x107: {  	_ =	shalt  }

</sc_bundles>
